<compile_context>
chip_gen: v7x
topology: tpu7x:2x2x1
jax: 0.10.2.dev20260603
libtpu: 0.0.44.dev20260713+nightly
codegen_flags: <defaults>
</compile_context>

<pallas_src>
import functools

import jax
import jax.numpy as jnp
from jax import lax
from jax.experimental import pallas as pl
from jax.experimental.pallas import tpu as pltpu
from jax.experimental.pallas import tpu_sc as plsc

_NUM_EMB = 1024
_DIM = 256
_TILE = 256
_TOKENS = 32 * 576
_STEPS = _TOKENS // _TILE

_NC = 2
_NS = 16
_NW = _NC * _NS
_B_PER_W = _TOKENS // _NW
_CHUNK = 288


def _e2_body(e_ref, e2_ref):
    e = e_ref[...]
    e2_ref[...] = jnp.sum(e * e, axis=1)[None, :]


_e2_pre = pl.pallas_call(
    _e2_body,
    out_shape=jax.ShapeDtypeStruct((1, _NUM_EMB), jnp.float32),
)


def _vq_tc_body(x_ref, e_ref, e2_ref, idx_ref, counts_ref, loss_ref, perp_ref):
    i = pl.program_id(0)
    nsteps = pl.num_programs(0)

    @pl.when(i == 0)
    def _init():
        counts_ref[...] = jnp.zeros_like(counts_ref)
        loss_ref[0, 0] = jnp.float32(0.0)

    x = x_ref[...]
    e = e_ref[...]
    x2 = jnp.sum(x * x, axis=1)
    e2 = e2_ref[0, :]
    mm = lax.dot_general(x, e, (((1,), (1,)), ((), ())),
                         preferred_element_type=jnp.float32)
    d = (x2[:, None] + e2[None, :]) - 2.0 * mm
    row_min = jnp.min(d, axis=1)
    col = lax.broadcasted_iota(jnp.int32, d.shape, 1)
    idx = jnp.min(jnp.where(d == row_min[:, None], col, _NUM_EMB), axis=1)
    idx_ref[0, 0, :] = idx
    onehot = (col == idx[:, None]).astype(jnp.float32)
    ones_row = jnp.ones((1, _TILE), jnp.float32)
    counts_ref[...] += lax.dot_general(
        ones_row, onehot, (((1,), (0,)), ((), ())),
        preferred_element_type=jnp.float32)
    loss_ref[0, 0] += jnp.sum(row_min)

    @pl.when(i == nsteps - 1)
    def _fini():
        v = loss_ref[0, 0] / jnp.float32(_TOKENS * _DIM)
        loss_ref[0, 0] = v + 0.25 * v
        p = counts_ref[...] / jnp.float32(_TOKENS)
        ent = -jnp.sum(p * jnp.log(p + 1e-10))
        perp_ref[0, 0] = jnp.exp(ent)


_vq_tc = pl.pallas_call(
    _vq_tc_body,
    grid=(_STEPS,),
    in_specs=[
        pl.BlockSpec((_TILE, _DIM), lambda i: (i, 0)),
        pl.BlockSpec((_NUM_EMB, _DIM), lambda i: (0, 0)),
        pl.BlockSpec((1, _NUM_EMB), lambda i: (0, 0)),
    ],
    out_specs=[
        pl.BlockSpec((1, 1, _TILE), lambda i: (i, 0, 0)),
        pl.BlockSpec((1, _NUM_EMB), lambda i: (0, 0)),
        pl.BlockSpec(memory_space=pltpu.SMEM),
        pl.BlockSpec(memory_space=pltpu.SMEM),
    ],
    out_shape=[
        jax.ShapeDtypeStruct((_STEPS, 1, _TILE), jnp.int32),
        jax.ShapeDtypeStruct((1, _NUM_EMB), jnp.float32),
        jax.ShapeDtypeStruct((1, 1), jnp.float32),
        jax.ShapeDtypeStruct((1, 1), jnp.float32),
    ],
)


@functools.cache
def _make_sc_gather():
    @functools.partial(
        pl.kernel,
        mesh=plsc.VectorSubcoreMesh(core_axis_name="c", subcore_axis_name="s"),
        out_type=jax.ShapeDtypeStruct((_TOKENS, _DIM), jnp.float32),
        scratch_types=[
            pltpu.VMEM((_CHUNK,), jnp.int32),
            pltpu.VMEM((_CHUNK, _DIM), jnp.float32),
            pltpu.SemaphoreType.DMA,
        ],
    )
    def _sc_gather(table_hbm, idx_hbm, out_hbm, idx_v, rows_v, sem):
        wid = lax.axis_index("s") * _NC + lax.axis_index("c")
        base = wid * _B_PER_W
        for c in range(_B_PER_W // _CHUNK):
            off = base + c * _CHUNK
            pltpu.sync_copy(idx_hbm.at[pl.ds(off, _CHUNK)], idx_v)
            pltpu.async_copy(table_hbm.at[idx_v], rows_v, sem).wait()
            pltpu.sync_copy(rows_v, out_hbm.at[pl.ds(off, _CHUNK)])

    return _sc_gather


def kernel(inputs, embedding_weight):
    batch, seq, dim = inputs.shape
    flat = inputs.reshape(-1, dim)
    e2 = _e2_pre(embedding_weight)
    idx3, counts, loss, perp = _vq_tc(flat, embedding_weight, e2)
    idx = idx3.reshape(-1)
    quantized = _make_sc_gather()(embedding_weight, idx)
    return (quantized.reshape(batch, seq, dim),
            loss.reshape(()),
            perp.reshape(()),
            idx.reshape(batch, seq))

# --- scband reference (transcript-rebuilt; emitter-appended) ---
"""Pipeline reference for scband-vector-quantizer-39367670235391 (READ-ONLY COPY).

The authoritative reference and input builder live on the scoring server;
editing this copy changes nothing except your own understanding.
"""

import jax, jax.numpy as jnp
import numpy as np

NUM_EMBEDDINGS = 1024
EMBEDDING_DIM = 256
COMMITMENT_COST = 0.25


def setup_inputs(seed: int = 0) -> dict:
    key = jax.random.key(seed)
    k1, k2 = jax.random.split(key)
    inputs = jax.random.normal(k1, (32, 576, 256), dtype=jnp.float32)
    embedding_weight = jax.random.uniform(
        k2, (NUM_EMBEDDINGS, EMBEDDING_DIM), dtype=jnp.float32,
        minval=-1.0 / NUM_EMBEDDINGS, maxval=1.0 / NUM_EMBEDDINGS)
    return {"inputs": inputs, "embedding_weight": embedding_weight}


def reference(inputs, embedding_weight):
    batch_size, seq_len, _ = inputs.shape
    flat_input = inputs.reshape(-1, EMBEDDING_DIM)
    # L2 distances: ||x||^2 + ||e||^2 - 2 x.e
    distances = (jnp.sum(flat_input ** 2, axis=1, keepdims=True)
                 + jnp.sum(embedding_weight ** 2, axis=1)
                 - 2.0 * jnp.matmul(flat_input, embedding_weight.T))
    encoding_indices = jnp.argmin(distances, axis=1)
    encodings = jax.nn.one_hot(encoding_indices, NUM_EMBEDDINGS, dtype=jnp.float32)
    quantized = jnp.matmul(encodings, embedding_weight).reshape(batch_size, seq_len, EMBEDDING_DIM)
    e_latent_loss = jnp.mean((jax.lax.stop_gradient(quantized) - inputs) ** 2)
    q_latent_loss = jnp.mean((quantized - jax.lax.stop_gradient(inputs)) ** 2)
    loss = q_latent_loss + COMMITMENT_COST * e_latent_loss
    quantized = inputs + jax.lax.stop_gradient(quantized - inputs)
    avg_probs = jnp.mean(encodings, axis=0)
    perplexity = jnp.exp(-jnp.sum(avg_probs * jnp.log(avg_probs + 1e-10)))
    encoding_indices_out = encoding_indices.reshape(batch_size, seq_len)
    return (quantized, loss, perplexity, encoding_indices_out)

if __name__ == "__main__":
    import jax
    _d = setup_inputs()
    print(jax.jit(kernel)(*tuple(_d.values())))

</pallas_src>

<mosaic_0001>
#map = affine_map<(d0, d1) -> (0, 0)>
#map1 = affine_map<(d0, d1) -> (0)>
module attributes {stable_mosaic.version = 14 : i64} {
  func.func @_sc_gather(%arg0: i32, %arg1: i32, %arg2: memref<1024x256xf32, #tpu.memory_space<hbm>>, %arg3: memref<18432xi32, #tpu.memory_space<hbm>>, %arg4: memref<18432x256xf32, #tpu.memory_space<hbm>>, %arg5: memref<288xi32, #tpu.memory_space<vmem>>, %arg6: memref<288x256xf32, #tpu.memory_space<vmem>>, %arg7: memref<!tpu.dma_semaphore, #tpu.memory_space<semaphore_mem>>) attributes {dimension_semantics = [#tpu.dimension_semantics<core_parallel>, #tpu.dimension_semantics<subcore_parallel>], iteration_bounds = array<i64: 2, 16>, scalar_prefetch = 0 : i64, scratch_operands = 3 : i64, tpu.core_type = #tpu.core_type<sc_vector_subcore>, window_params = [{transform_indices = #map}, {transform_indices = #map1}, {transform_indices = #map}]} {
    %mul3A = arith.constant 2 : i32
    %mul3A_0 = arith.muli %arg1, %mul3A : i32
    %add3A = arith.addi %mul3A_0, %arg0 : i32
    %mul3A_1 = arith.constant 576 : i32
    %mul3A_2 = arith.muli %add3A, %mul3A_1 : i32
    %add3A_3 = arith.constant 0 : i32
    %add3A_4 = arith.addi %mul3A_2, %add3A_3 : i32
    "tpu.region"() ({
      %run_scoped3A = tpu.sem_alloc : memref<!tpu.dma_semaphore, #tpu.memory_space<semaphore_mem>>
      %dma_start3A_17 = tpu.memref_slice %arg3[%add3A_4] : memref<18432xi32, #tpu.memory_space<hbm>> -> memref<288xi32, #tpu.memory_space<hbm>>
      %dma_start3A_18 = tpu.memref_slice %arg3[%add3A_4] : memref<18432xi32, #tpu.memory_space<hbm>> -> memref<288xi32, #tpu.memory_space<hbm>>
      tpu.enqueue_dma source(%dma_start3A_18 : memref<288xi32, #tpu.memory_space<hbm>>) target(%arg5 : memref<288xi32, #tpu.memory_space<vmem>>) target_semaphore(%run_scoped3A : memref<!tpu.dma_semaphore, #tpu.memory_space<semaphore_mem>>)
      %dma_wait3A_19 = tpu.memref_slice %arg3[%add3A_4] : memref<18432xi32, #tpu.memory_space<hbm>> -> memref<288xi32, #tpu.memory_space<hbm>>
      %dma_wait3A_20 = tpu.memref_slice %arg3[%add3A_4] : memref<18432xi32, #tpu.memory_space<hbm>> -> memref<288xi32, #tpu.memory_space<hbm>>
      tpu.wait_dma2 semaphore(%run_scoped3A : memref<!tpu.dma_semaphore, #tpu.memory_space<semaphore_mem>>) src(%dma_wait3A_20 : memref<288xi32, #tpu.memory_space<hbm>>) dst(%arg5 : memref<288xi32, #tpu.memory_space<vmem>>)
      tpu.yield
    }) : () -> ()
    %dma_start3A = arith.constant 0 : i32
    %dma_start3A_5 = arith.constant 0 : i32
    %dma_start3A_6 = tpu.memref_slice %arg2[%dma_start3A, %dma_start3A_5] : memref<1024x256xf32, #tpu.memory_space<hbm>> -> memref<1024x256xf32, #tpu.memory_space<hbm>>
    tpu.enqueue_indirect_dma source(%dma_start3A_6 : memref<1024x256xf32, #tpu.memory_space<hbm>>) target(%arg6 : memref<288x256xf32, #tpu.memory_space<vmem>>) offsets(%arg5 : memref<288xi32, #tpu.memory_space<vmem>>) semaphore(%arg7 : memref<!tpu.dma_semaphore, #tpu.memory_space<semaphore_mem>>)
    %dma_wait3A = arith.constant 0 : i32
    %dma_wait3A_7 = arith.constant 0 : i32
    %dma_wait3A_8 = tpu.memref_slice %arg2[%dma_wait3A, %dma_wait3A_7] : memref<1024x256xf32, #tpu.memory_space<hbm>> -> memref<1024x256xf32, #tpu.memory_space<hbm>>
    tpu.wait_indirect_dma semaphore(%arg7 : memref<!tpu.dma_semaphore, #tpu.memory_space<semaphore_mem>>) src(%dma_wait3A_8 : memref<1024x256xf32, #tpu.memory_space<hbm>>) dst(%arg6 : memref<288x256xf32, #tpu.memory_space<vmem>>)
    "tpu.region"() ({
      %run_scoped3A = tpu.sem_alloc : memref<!tpu.dma_semaphore, #tpu.memory_space<semaphore_mem>>
      %dma_start3A_17 = arith.constant 0 : i32
      %dma_start3A_18 = tpu.memref_slice %arg4[%add3A_4, %dma_start3A_17] : memref<18432x256xf32, #tpu.memory_space<hbm>> -> memref<288x256xf32, #tpu.memory_space<hbm>>
      %dma_start3A_19 = arith.constant 0 : i32
      %dma_start3A_20 = tpu.memref_slice %arg4[%add3A_4, %dma_start3A_19] : memref<18432x256xf32, #tpu.memory_space<hbm>> -> memref<288x256xf32, #tpu.memory_space<hbm>>
      tpu.enqueue_dma source(%arg6 : memref<288x256xf32, #tpu.memory_space<vmem>>) target(%dma_start3A_20 : memref<288x256xf32, #tpu.memory_space<hbm>>) target_semaphore(%run_scoped3A : memref<!tpu.dma_semaphore, #tpu.memory_space<semaphore_mem>>)
      %dma_wait3A_21 = arith.constant 0 : i32
      %dma_wait3A_22 = tpu.memref_slice %arg4[%add3A_4, %dma_wait3A_21] : memref<18432x256xf32, #tpu.memory_space<hbm>> -> memref<288x256xf32, #tpu.memory_space<hbm>>
      %dma_wait3A_23 = arith.constant 0 : i32
      %dma_wait3A_24 = tpu.memref_slice %arg4[%add3A_4, %dma_wait3A_23] : memref<18432x256xf32, #tpu.memory_space<hbm>> -> memref<288x256xf32, #tpu.memory_space<hbm>>
      tpu.wait_dma2 semaphore(%run_scoped3A : memref<!tpu.dma_semaphore, #tpu.memory_space<semaphore_mem>>) src(%arg6 : memref<288x256xf32, #tpu.memory_space<vmem>>) dst(%dma_wait3A_24 : memref<288x256xf32, #tpu.memory_space<hbm>>)
      tpu.yield
    }) : () -> ()
    %add3A_9 = arith.constant 288 : i32
    %add3A_10 = arith.addi %mul3A_2, %add3A_9 : i32
    "tpu.region"() ({
      %run_scoped3A = tpu.sem_alloc : memref<!tpu.dma_semaphore, #tpu.memory_space<semaphore_mem>>
      %dma_start3A_17 = tpu.memref_slice %arg3[%add3A_10] : memref<18432xi32, #tpu.memory_space<hbm>> -> memref<288xi32, #tpu.memory_space<hbm>>
      %dma_start3A_18 = tpu.memref_slice %arg3[%add3A_10] : memref<18432xi32, #tpu.memory_space<hbm>> -> memref<288xi32, #tpu.memory_space<hbm>>
      tpu.enqueue_dma source(%dma_start3A_18 : memref<288xi32, #tpu.memory_space<hbm>>) target(%arg5 : memref<288xi32, #tpu.memory_space<vmem>>) target_semaphore(%run_scoped3A : memref<!tpu.dma_semaphore, #tpu.memory_space<semaphore_mem>>)
      %dma_wait3A_19 = tpu.memref_slice %arg3[%add3A_10] : memref<18432xi32, #tpu.memory_space<hbm>> -> memref<288xi32, #tpu.memory_space<hbm>>
      %dma_wait3A_20 = tpu.memref_slice %arg3[%add3A_10] : memref<18432xi32, #tpu.memory_space<hbm>> -> memref<288xi32, #tpu.memory_space<hbm>>
      tpu.wait_dma2 semaphore(%run_scoped3A : memref<!tpu.dma_semaphore, #tpu.memory_space<semaphore_mem>>) src(%dma_wait3A_20 : memref<288xi32, #tpu.memory_space<hbm>>) dst(%arg5 : memref<288xi32, #tpu.memory_space<vmem>>)
      tpu.yield
    }) : () -> ()
    %dma_start3A_11 = arith.constant 0 : i32
    %dma_start3A_12 = arith.constant 0 : i32
    %dma_start3A_13 = tpu.memref_slice %arg2[%dma_start3A_11, %dma_start3A_12] : memref<1024x256xf32, #tpu.memory_space<hbm>> -> memref<1024x256xf32, #tpu.memory_space<hbm>>
    tpu.enqueue_indirect_dma source(%dma_start3A_13 : memref<1024x256xf32, #tpu.memory_space<hbm>>) target(%arg6 : memref<288x256xf32, #tpu.memory_space<vmem>>) offsets(%arg5 : memref<288xi32, #tpu.memory_space<vmem>>) semaphore(%arg7 : memref<!tpu.dma_semaphore, #tpu.memory_space<semaphore_mem>>)
    %dma_wait3A_14 = arith.constant 0 : i32
    %dma_wait3A_15 = arith.constant 0 : i32
    %dma_wait3A_16 = tpu.memref_slice %arg2[%dma_wait3A_14, %dma_wait3A_15] : memref<1024x256xf32, #tpu.memory_space<hbm>> -> memref<1024x256xf32, #tpu.memory_space<hbm>>
    tpu.wait_indirect_dma semaphore(%arg7 : memref<!tpu.dma_semaphore, #tpu.memory_space<semaphore_mem>>) src(%dma_wait3A_16 : memref<1024x256xf32, #tpu.memory_space<hbm>>) dst(%arg6 : memref<288x256xf32, #tpu.memory_space<vmem>>)
    "tpu.region"() ({
      %run_scoped3A = tpu.sem_alloc : memref<!tpu.dma_semaphore, #tpu.memory_space<semaphore_mem>>
      %dma_start3A_17 = arith.constant 0 : i32
      %dma_start3A_18 = tpu.memref_slice %arg4[%add3A_10, %dma_start3A_17] : memref<18432x256xf32, #tpu.memory_space<hbm>> -> memref<288x256xf32, #tpu.memory_space<hbm>>
      %dma_start3A_19 = arith.constant 0 : i32
      %dma_start3A_20 = tpu.memref_slice %arg4[%add3A_10, %dma_start3A_19] : memref<18432x256xf32, #tpu.memory_space<hbm>> -> memref<288x256xf32, #tpu.memory_space<hbm>>
      tpu.enqueue_dma source(%arg6 : memref<288x256xf32, #tpu.memory_space<vmem>>) target(%dma_start3A_20 : memref<288x256xf32, #tpu.memory_space<hbm>>) target_semaphore(%run_scoped3A : memref<!tpu.dma_semaphore, #tpu.memory_space<semaphore_mem>>)
      %dma_wait3A_21 = arith.constant 0 : i32
      %dma_wait3A_22 = tpu.memref_slice %arg4[%add3A_10, %dma_wait3A_21] : memref<18432x256xf32, #tpu.memory_space<hbm>> -> memref<288x256xf32, #tpu.memory_space<hbm>>
      %dma_wait3A_23 = arith.constant 0 : i32
      %dma_wait3A_24 = tpu.memref_slice %arg4[%add3A_10, %dma_wait3A_23] : memref<18432x256xf32, #tpu.memory_space<hbm>> -> memref<288x256xf32, #tpu.memory_space<hbm>>
      tpu.wait_dma2 semaphore(%run_scoped3A : memref<!tpu.dma_semaphore, #tpu.memory_space<semaphore_mem>>) src(%arg6 : memref<288x256xf32, #tpu.memory_space<vmem>>) dst(%dma_wait3A_24 : memref<288x256xf32, #tpu.memory_space<hbm>>)
      tpu.yield
    }) : () -> ()
    return
  }
}

module attributes {stable_mosaic.version = 14 : i64} {
  func.func @_e2_body(%arg0: memref<1024x256xf32, #tpu.memory_space<vmem>>, %arg1: memref<1x1024xf32, #tpu.memory_space<vmem>>) attributes {dimension_semantics = [], scalar_prefetch = 0 : i64, scratch_operands = 0 : i64, tpu.core_type = #tpu.core_type<tc>} {
    %get3A = arith.constant 0 : index
    %get3A_0 = arith.constant 0 : index
    %get3A_1 = vector.load %arg0[%get3A, %get3A_0] : memref<1024x256xf32, #tpu.memory_space<vmem>>, vector<1024x256xf32>
    %mul3A = arith.mulf %get3A_1, %get3A_1 : vector<1024x256xf32>
    %reduce_sum3A = arith.constant dense<0.000000e+00> : vector<1024xf32>
    %reduce_sum3A_2 = vector.multi_reduction <add>, %mul3A, %reduce_sum3A [1] : vector<1024x256xf32> to vector<1024xf32>
    %broadcast_in_dim3A = vector.shape_cast %reduce_sum3A_2 : vector<1024xf32> to vector<1x1024xf32>
    %swap3A = arith.constant 0 : index
    %swap3A_3 = arith.constant 0 : index
    %swap3A_4 = vector.load %arg1[%swap3A, %swap3A_3] : memref<1x1024xf32, #tpu.memory_space<vmem>>, vector<1x1024xf32>
    tpu.vector_store %arg1[%swap3A, %swap3A_3], %broadcast_in_dim3A {strides = array<i32>} : memref<1x1024xf32, #tpu.memory_space<vmem>>, vector<1x1024xf32>,
    return
  }
}

module attributes {stable_mosaic.version = 14 : i64} {
  func.func @_vq_tc_body(%arg0: i32, %arg1: memref<256x256xf32, #tpu.memory_space<vmem>>, %arg2: memref<1024x256xf32, #tpu.memory_space<vmem>>, %arg3: memref<1x1024xf32, #tpu.memory_space<vmem>>, %arg4: memref<1x1x256xi32, #tpu.memory_space<vmem>>, %arg5: memref<1x1024xf32, #tpu.memory_space<vmem>>, %arg6: memref<1x1xf32, #tpu.memory_space<smem>>, %arg7: memref<1x1xf32, #tpu.memory_space<smem>>) attributes {dimension_semantics = [#tpu.dimension_semantics<arbitrary>], iteration_bounds = array<i64: 72>, scalar_prefetch = 0 : i64, scratch_operands = 0 : i64, tpu.core_type = #tpu.core_type<tc>, window_params = [{transform_indices = @transform_0, window_bounds = array<i64: 256, 256>}, {pipeline_mode = #tpu.pipeline_mode<synchronous>, transform_indices = @transform_1, window_bounds = array<i64: 1024, 256>}, {pipeline_mode = #tpu.pipeline_mode<synchronous>, transform_indices = @transform_2, window_bounds = array<i64: 1, 1024>}, {transform_indices = @transform_3, window_bounds = array<i64: 1, 1, 256>}, {pipeline_mode = #tpu.pipeline_mode<synchronous>, transform_indices = @transform_4, window_bounds = array<i64: 1, 1024>}, {transform_indices = @transform_5, window_bounds = array<i64: 1, 1>}, {transform_indices = @transform_6, window_bounds = array<i64: 1, 1>}]} {
    %eq3A = arith.constant 0 : i32
    %eq3A_0 = arith.cmpi eq, %arg0, %eq3A : i32
    %convert_element_type3A = arith.extui %eq3A_0 : i1 to i32
    %cond3A = arith.constant 0 : i32
    %cond3A_1 = arith.cmpi ne, %convert_element_type3A, %cond3A : i32
    scf.if %cond3A_1 {
      %broadcast_in_dim3A_64 = arith.constant 0.000000e+00 : f32
      %broadcast_in_dim3A_65 = vector.broadcast %broadcast_in_dim3A_64 : f32 to vector<1x1024xf32>
      %swap3A_66 = arith.constant 0 : index
      %swap3A_67 = arith.constant 0 : index
      %swap3A_68 = vector.load %arg5[%swap3A_66, %swap3A_67] : memref<1x1024xf32, #tpu.memory_space<vmem>>, vector<1x1024xf32>
      tpu.vector_store %arg5[%swap3A_66, %swap3A_67], %broadcast_in_dim3A_65 {strides = array<i32>} : memref<1x1024xf32, #tpu.memory_space<vmem>>, vector<1x1024xf32>,
      %swap3A_69 = arith.constant 0.000000e+00 : f32
      %swap3A_70 = arith.constant 0 : index
      %swap3A_71 = arith.constant 0 : index
      %swap3A_72 = memref.load %arg6[%swap3A_70, %swap3A_71] : memref<1x1xf32, #tpu.memory_space<smem>>
      memref.store %swap3A_69, %arg6[%swap3A_70, %swap3A_71] : memref<1x1xf32, #tpu.memory_space<smem>>
    } else {
    }
    %get3A = arith.constant 0 : index
    %get3A_2 = arith.constant 0 : index
    %get3A_3 = vector.load %arg1[%get3A, %get3A_2] : memref<256x256xf32, #tpu.memory_space<vmem>>, vector<256x256xf32>
    %get3A_4 = arith.constant 0 : index
    %get3A_5 = arith.constant 0 : index
    %get3A_6 = vector.load %arg2[%get3A_4, %get3A_5] : memref<1024x256xf32, #tpu.memory_space<vmem>>, vector<1024x256xf32>
    %mul3A = arith.mulf %get3A_3, %get3A_3 : vector<256x256xf32>
    %reduce_sum3A = arith.constant dense<0.000000e+00> : vector<256xf32>
    %reduce_sum3A_7 = vector.multi_reduction <add>, %mul3A, %reduce_sum3A [1] : vector<256x256xf32> to vector<256xf32>
    %get3A_8 = arith.constant 0 : index
    %get3A_9 = arith.constant 0 : index
    %get3A_10 = vector.load %arg3[%get3A_8, %get3A_9] : memref<1x1024xf32, #tpu.memory_space<vmem>>, vector<1x1024xf32>
    %get3A_11 = vector.shape_cast %get3A_10 : vector<1x1024xf32> to vector<1024xf32>
    %dot_general3A = arith.constant dense<0.000000e+00> : vector<256x1024xf32>
    %dot_general3A_12 = tpu.matmul %get3A_3, %get3A_6, %dot_general3A {dimension_numbers = #tpu.dot_dimension_numbers<[1], [1], [0], [0], [0, 0, 1, 0], [], []>, transpose_lhs_hint = false} : vector<256x256xf32>, vector<1024x256xf32>, vector<256x1024xf32> -> vector<256x1024xf32>
    %broadcast_in_dim3A = vector.shape_cast %reduce_sum3A_7 : vector<256xf32> to vector<256x1xf32>
    %broadcast_in_dim3A_13 = vector.shape_cast %get3A_11 : vector<1024xf32> to vector<1x1024xf32>
    %add3A = vector.broadcast %broadcast_in_dim3A : vector<256x1xf32> to vector<256x1024xf32>
    %add3A_14 = vector.broadcast %broadcast_in_dim3A_13 : vector<1x1024xf32> to vector<256x1024xf32>
    %add3A_15 = arith.addf %add3A, %add3A_14 : vector<256x1024xf32>
    %mul3A_16 = arith.constant 2.000000e+00 : f32
    %mul3A_17 = vector.broadcast %mul3A_16 : f32 to vector<256x1024xf32>
    %mul3A_18 = arith.mulf %mul3A_17, %dot_general3A_12 : vector<256x1024xf32>
    %sub3A = arith.subf %add3A_15, %mul3A_18 : vector<256x1024xf32>
    %reduce_min3A = arith.constant dense<0x7F800000> : vector<256xf32>
    %reduce_min3A_19 = vector.multi_reduction <minimumf>, %sub3A, %reduce_min3A [1] : vector<256x1024xf32> to vector<256xf32>
    %iota3A = tpu.iota {dimensions = array<i32: 1>} : vector<256x1024xi32>
    %broadcast_in_dim3A_20 = vector.shape_cast %reduce_min3A_19 : vector<256xf32> to vector<256x1xf32>
    %eq3A_21 = vector.broadcast %broadcast_in_dim3A_20 : vector<256x1xf32> to vector<256x1024xf32>
    %eq3A_22 = arith.cmpf oeq, %sub3A, %eq3A_21 : vector<256x1024xf32>
    %jit3A = arith.constant 1024 : i32
    %broadcast_in_dim3A_23 = vector.broadcast %jit3A : i32 to vector<256x1024xi32>
    %select_n3A = arith.select %eq3A_22, %iota3A, %broadcast_in_dim3A_23 : vector<256x1024xi1>, vector<256x1024xi32>
    %reduce_min3A_24 = arith.constant dense<2147483647> : vector<256xi32>
    %reduce_min3A_25 = vector.multi_reduction <minsi>, %select_n3A, %reduce_min3A_24 [1] : vector<256x1024xi32> to vector<256xi32>
    %swap3A = arith.constant 0 : index
    %swap3A_26 = arith.constant 0 : index
    %swap3A_27 = arith.constant 0 : index
    %swap3A_28 = vector.load %arg4[%swap3A, %swap3A_26, %swap3A_27] : memref<1x1x256xi32, #tpu.memory_space<vmem>>, vector<1x1x256xi32>
    %swap3A_29 = vector.shape_cast %swap3A_28 : vector<1x1x256xi32> to vector<256xi32>
    %swap3A_30 = vector.shape_cast %reduce_min3A_25 : vector<256xi32> to vector<1x1x256xi32>
    tpu.vector_store %arg4[%swap3A, %swap3A_26, %swap3A_27], %swap3A_30 {strides = array<i32>} : memref<1x1x256xi32, #tpu.memory_space<vmem>>, vector<1x1x256xi32>,
    %broadcast_in_dim3A_31 = vector.shape_cast %reduce_min3A_25 : vector<256xi32> to vector<256x1xi32>
    %eq3A_32 = vector.broadcast %broadcast_in_dim3A_31 : vector<256x1xi32> to vector<256x1024xi32>
    %eq3A_33 = arith.cmpi eq, %iota3A, %eq3A_32 : vector<256x1024xi32>
    %convert_element_type3A_34 = arith.extui %eq3A_33 : vector<256x1024xi1> to vector<256x1024xi32>
    %convert_element_type3A_35 = arith.sitofp %convert_element_type3A_34 : vector<256x1024xi32> to vector<256x1024xf32>
    %broadcast_in_dim3A_36 = arith.constant 1.000000e+00 : f32
    %broadcast_in_dim3A_37 = vector.broadcast %broadcast_in_dim3A_36 : f32 to vector<1x256xf32>
    %get3A_38 = arith.constant 0 : index
    %get3A_39 = arith.constant 0 : index
    %get3A_40 = vector.load %arg5[%get3A_38, %get3A_39] : memref<1x1024xf32, #tpu.memory_space<vmem>>, vector<1x1024xf32>
    %dot_general3A_41 = arith.constant dense<0.000000e+00> : vector<1x1024xf32>
    %dot_general3A_42 = tpu.matmul %broadcast_in_dim3A_37, %convert_element_type3A_35, %dot_general3A_41 {dimension_numbers = #tpu.dot_dimension_numbers<[1], [0], [0], [1], [0, 0, 1, 1], [], []>, transpose_lhs_hint = false} : vector<1x256xf32>, vector<256x1024xf32>, vector<1x1024xf32> -> vector<1x1024xf32>
    %add3A_43 = arith.addf %get3A_40, %dot_general3A_42 : vector<1x1024xf32>
    %swap3A_44 = arith.constant 0 : index
    %swap3A_45 = arith.constant 0 : index
    %swap3A_46 = vector.load %arg5[%swap3A_44, %swap3A_45] : memref<1x1024xf32, #tpu.memory_space<vmem>>, vector<1x1024xf32>
    tpu.vector_store %arg5[%swap3A_44, %swap3A_45], %add3A_43 {strides = array<i32>} : memref<1x1024xf32, #tpu.memory_space<vmem>>, vector<1x1024xf32>,
    %get3A_47 = arith.constant 0 : index
    %get3A_48 = arith.constant 0 : index
    %get3A_49 = memref.load %arg6[%get3A_47, %get3A_48] : memref<1x1xf32, #tpu.memory_space<smem>>
    %reduce_sum3A_50 = vector.shape_cast %reduce_min3A_19 : vector<256xf32> to vector<1x256xf32>
    %reduce_sum3A_51 = arith.constant dense<0.000000e+00> : vector<1xf32>
    %reduce_sum3A_52 = vector.multi_reduction <add>, %reduce_sum3A_50, %reduce_sum3A_51 [1] : vector<1x256xf32> to vector<1xf32>
    %reduce_sum3A_53 = vector.shape_cast %reduce_sum3A_52 : vector<1xf32> to vector<1x1xf32>
    %reduce_sum3A_54 = vector.extract %reduce_sum3A_53[0, 0] : f32 from vector<1x1xf32>
    %add3A_55 = arith.addf %get3A_49, %reduce_sum3A_54 : f32
    %swap3A_56 = arith.constant 0 : index
    %swap3A_57 = arith.constant 0 : index
    %swap3A_58 = memref.load %arg6[%swap3A_56, %swap3A_57] : memref<1x1xf32, #tpu.memory_space<smem>>
    memref.store %add3A_55, %arg6[%swap3A_56, %swap3A_57] : memref<1x1xf32, #tpu.memory_space<smem>>
    %eq3A_59 = arith.constant 71 : i32
    %eq3A_60 = arith.cmpi eq, %arg0, %eq3A_59 : i32
    %convert_element_type3A_61 = arith.extui %eq3A_60 : i1 to i32
    %cond3A_62 = arith.constant 0 : i32
    %cond3A_63 = arith.cmpi ne, %convert_element_type3A_61, %cond3A_62 : i32
    scf.if %cond3A_63 {
      %get3A_64 = arith.constant 0 : index
      %get3A_65 = arith.constant 0 : index
      %get3A_66 = memref.load %arg6[%get3A_64, %get3A_65] : memref<1x1xf32, #tpu.memory_space<smem>>
      %div3A = arith.constant 0x4A900000 : f32
      %div3A_67 = arith.divf %get3A_66, %div3A : f32
      %mul3A_68 = arith.constant 2.500000e-01 : f32
      %mul3A_69 = arith.mulf %mul3A_68, %div3A_67 : f32
      %add3A_70 = arith.addf %div3A_67, %mul3A_69 : f32
      %swap3A_71 = arith.constant 0 : index
      %swap3A_72 = arith.constant 0 : index
      %swap3A_73 = memref.load %arg6[%swap3A_71, %swap3A_72] : memref<1x1xf32, #tpu.memory_space<smem>>
      memref.store %add3A_70, %arg6[%swap3A_71, %swap3A_72] : memref<1x1xf32, #tpu.memory_space<smem>>
      %get3A_74 = arith.constant 0 : index
      %get3A_75 = arith.constant 0 : index
      %get3A_76 = vector.load %arg5[%get3A_74, %get3A_75] : memref<1x1024xf32, #tpu.memory_space<vmem>>, vector<1x1024xf32>
      %div3A_77 = arith.constant 1.843200e+04 : f32
      %div3A_78 = vector.broadcast %div3A_77 : f32 to vector<1x1024xf32>
      %div3A_79 = arith.divf %get3A_76, %div3A_78 : vector<1x1024xf32>
      %add3A_80 = arith.constant 1.000000e-10 : f32
      %add3A_81 = vector.broadcast %add3A_80 : f32 to vector<1x1024xf32>
      %add3A_82 = arith.addf %div3A_79, %add3A_81 : vector<1x1024xf32>
      %log3A = math.log %add3A_82 : vector<1x1024xf32>
      %mul3A_83 = arith.mulf %div3A_79, %log3A : vector<1x1024xf32>
      %reduce_sum3A_84 = vector.shape_cast %mul3A_83 : vector<1x1024xf32> to vector<1x1x1024xf32>
      %reduce_sum3A_85 = arith.constant dense<0.000000e+00> : vector<1xf32>
      %reduce_sum3A_86 = vector.multi_reduction <add>, %reduce_sum3A_84, %reduce_sum3A_85 [1, 2] : vector<1x1x1024xf32> to vector<1xf32>
      %reduce_sum3A_87 = vector.shape_cast %reduce_sum3A_86 : vector<1xf32> to vector<1x1x1xf32>
      %reduce_sum3A_88 = vector.extract %reduce_sum3A_87[0, 0, 0] : f32 from vector<1x1x1xf32>
      %neg3A = arith.constant 0.000000e+00 : f32
      %neg3A_89 = arith.subf %neg3A, %reduce_sum3A_88 : f32
      %exp3A = math.exp %neg3A_89 : f32
      %swap3A_90 = arith.constant 0 : index
      %swap3A_91 = arith.constant 0 : index
      %swap3A_92 = memref.load %arg7[%swap3A_90, %swap3A_91] : memref<1x1xf32, #tpu.memory_space<smem>>
      memref.store %exp3A, %arg7[%swap3A_90, %swap3A_91] : memref<1x1xf32, #tpu.memory_space<smem>>
    } else {
    }
    return
  }
  func.func @transform_0(%arg0: i32) -> (i32, i32) {
    %c0_i32 = arith.constant 0 : i32
    %c0_i32_0 = arith.constant 0 : i32
    return %arg0, %c0_i32 : i32, i32
  }
  func.func @transform_1(%arg0: i32) -> (i32, i32) {
    %c0_i32 = arith.constant 0 : i32
    %c0_i32_0 = arith.constant 0 : i32
    %c0_i32_1 = arith.constant 0 : i32
    return %c0_i32, %c0_i32_0 : i32, i32
  }
  func.func @transform_2(%arg0: i32) -> (i32, i32) {
    %c0_i32 = arith.constant 0 : i32
    %c0_i32_0 = arith.constant 0 : i32
    %c0_i32_1 = arith.constant 0 : i32
    return %c0_i32, %c0_i32_0 : i32, i32
  }
  func.func @transform_3(%arg0: i32) -> (i32, i32, i32) {
    %c0_i32 = arith.constant 0 : i32
    %c0_i32_0 = arith.constant 0 : i32
    %c0_i32_1 = arith.constant 0 : i32
    return %arg0, %c0_i32, %c0_i32_0 : i32, i32, i32
  }
  func.func @transform_4(%arg0: i32) -> (i32, i32) {
    %c0_i32 = arith.constant 0 : i32
    %c0_i32_0 = arith.constant 0 : i32
    %c0_i32_1 = arith.constant 0 : i32
    return %c0_i32, %c0_i32_0 : i32, i32
  }
  func.func @transform_5(%arg0: i32) -> (i32, i32) {
    %c0_i32 = arith.constant 0 : i32
    %c0_i32_0 = arith.constant 0 : i32
    %c0_i32_1 = arith.constant 0 : i32
    return %c0_i32, %c0_i32_0 : i32, i32
  }
  func.func @transform_6(%arg0: i32) -> (i32, i32) {
    %c0_i32 = arith.constant 0 : i32
    %c0_i32_0 = arith.constant 0 : i32
    %c0_i32_1 = arith.constant 0 : i32
    return %c0_i32, %c0_i32_0 : i32, i32
  }
}

</mosaic_0001>

<sc_bundles>
// kernel: kernel.5.cloned.1.call-start
scs
__scs_entry_jumppad:
0x0: {  	(pc) =	sbr.rel $0x88, $3  }
0x1: {  	(tag) =	ssettag $0x0;
	lr =	simm.s32 $0x1  }
0x2: {  	[smem:$0x3F9F] =	sst lr;
	_ =	strace $0xD0000000  }
0x3: {  	_ = 	snop  }
0x4: {  	_ = 	snop  }
0x5: {  	_ = 	snop  }
0x6: {  	_ = 	snop  }
0x7: {  	_ = 	snop  }
__scs_overlays_trampoline_lowered:
0x8: {  	[smem:$0x3FAE] =	sst s0  }
0x9: {  	[smem:$0x3FAF] =	sst s1  }
0xa: {  	[smem:$0x3FB0] =	sst s2  }
0xb: {  	[smem:$0x3FB1] =	sst s3  }
0xc: {  	[smem:$0x3FB2] =	sst s4  }
0xd: {  	[smem:$0x3FB3] =	sst s5  }
0xe: {  	[smem:$0x3FB4] =	sst s6  }
0xf: {  	[smem:$0x3FB5] =	sst s7  }
0x10: {  	[smem:$0x3FB6] =	sst s8  }
0x11: {  	[smem:$0x3FB7] =	sst s9;
	s0 =	simm.s32 @!p0 $0x0  }
0x12: {  	s1 =	sld [smem:$0x3F9D];
	s0 =	simm.s32 @p0 $0x1  }
0x13: {  	[smem:$0x3FB8] =	sst s0;
	s0 =	simm.s32 @!p1 $0x0  }
0x14: {  	s2 =	sld [smem:$0x3F9C];
	s0 =	simm.s32 @p1 $0x1  }
0x15: {  	[smem:$0x3FB9] =	sst s0;
	s0 =	simm.s32 @!p2 $0x0  }
0x16: {  	s3 =	sld [smem:$0x3FDB];
	s0 =	simm.s32 @p2 $0x1  }
0x17: {  	s4 =	simm.s32 $0x1BF5;
	[smem:$0x3FBB] =	sst s0  }
0x18: {  	s0 =	sld [smem:$0x3F9E];
	_ =	swait.ge [sflag:s4], $0x0  }
0x19: {  	s7 =	sld [smem:$0x3F9F]  }
0x1a: {  	s8 =	sadd.s32 $0xFFFFE003, lr  }
0x1b: {  	s9 =	sadd.s32 $0xFFFFFEF7, lr;
	s5 =	simm.s32 $0xFFFFFFFF;
	p2 =	slt.u32 s8, $0xFFFFF086  }
0x1c: {  	p1 =	slt.u32 s9, $0xF7A;
	s5 =	simm.s32 @!p2 $0x0  }
0x1d: {  	s5 =	simm.s32 @p1 $0x1;
	p0 =	seq.s32 s7, s2  }
0x1e: {  	s7 =	smul.u32 @!p0 $0xF7A, s2;
	p2 =	seq.s32 @!p0 s5, $0x0  }
0x1f: {  	s9 =	smul.u32 $0xF7A, s1;
	s8 =	simm.s32 @!p0 $0x1BF5;
	p2 =	por !p2, p0  }
0x20: {  	[sflag:s8] =	ssyncset.s32 @!p0 $0xFFFFF086;
	s6 =	sadd.s32 @!p0 s3, s7;
	s7 =	simm.s32 @!p0 $0x108  }
0x21: {  	s3 =	sadd.s32 s3, s9;
	s6 =	sadd.s32 @!p0 $0x88, s6;
	s7 =	simm.s32 @p2 $0x1082  }
0x22: {  	[simem:s7], [sflag:s8] =	dma.local @!p0 [hbm:s6], $0xF7A  }
0x23: {  	s9 =	sor.u32 $0xD0000000, s2;
	s6 =	simm.s32 $0x108;
	_ =	swait.ge @!p0 [sflag:s8], $0x0  }
0x24: {  	s3 =	sadd.s32 $0x88, s3;
	s6 =	simm.s32 @!p1 $0x1082;
	[sflag:s4] =	ssyncset.s32 $0xFFFFF086  }
0x25: {  	[simem:s6], [sflag:s4] =	dma.local [hbm:s3], $0xF7A  }
0x26: {  	[smem:$0x3F9F] =	sst s1;
	(tag) =	ssettag s2;
	_ =	strace s9  }
0x27: {  	s1 =	sld [smem:$0x3FAF]  }
0x28: {  	s2 =	sld [smem:$0x3FB0]  }
0x29: {  	s4 =	sld [smem:$0x3FB2]  }
0x2a: {  	p0 =	seq.s32 s5, $0x0;
	s5 =	sld [smem:$0x3FB3]  }
0x2b: {  	s6 =	sld [smem:$0x3FB4]  }
0x2c: {  	s7 =	sld [smem:$0x3FB5]  }
0x2d: {  	s3 =	simm.s32 $0x108;
	s8 =	sld [smem:$0x3FB6]  }
0x2e: {  	s3 =	simm.s32 @!p0 $0x1082;
	s9 =	sld [smem:$0x3FB7]  }
0x2f: {  	lr =	sadd.s32 s0, s3;
	s0 =	sld [smem:$0x3FAE]  }
0x30: {  	s3 =	sld [smem:$0x3FB1]  }
0x31: {  	[smem:$0x3FBA] =	sst s10  }
0x32: {  	s10 =	sld [smem:$0x3FB8];
	_ =	sdelay $0x3  }
0x33: {  	p0 =	seq.s32 s10, $0x1;
	s10 =	sld [smem:$0x3FBA];
	_ =	sdelay $0x3  }
0x34: {  	[smem:$0x3FBA] =	sst s10  }
0x35: {  	s10 =	sld [smem:$0x3FB9];
	_ =	sdelay $0x3  }
0x36: {  	p1 =	seq.s32 s10, $0x1;
	s10 =	sld [smem:$0x3FBA];
	_ =	sdelay $0x3  }
0x37: {  	[smem:$0x3FBA] =	sst s10  }
0x38: {  	s10 =	sld [smem:$0x3FBB]  }
0x39: {  	_ = 	snop;
	(pc) =	sbr.ind lr, $3  }
0x3a: {  	_ = 	snop  }
0x3b: {  	_ = 	snop  }
0x3c: {  	p2 =	seq.s32 s10, $0x1;
	s10 =	sld [smem:$0x3FBA]  }
0x3d: {  	_ =	shalt  }
0x3e: {  	_ =	shalt  }
0x3f: {  	_ =	shalt  }
0x40: {  	_ =	shalt  }
0x41: {  	_ =	shalt  }
0x42: {  	_ =	shalt  }
0x43: {  	_ =	shalt  }
0x44: {  	_ =	shalt  }
0x45: {  	_ =	shalt  }
0x46: {  	_ =	shalt  }
0x47: {  	_ =	shalt  }
0x48: {  	_ =	shalt  }
0x49: {  	_ =	shalt  }
0x4a: {  	_ =	shalt  }
0x4b: {  	_ =	shalt  }
0x4c: {  	_ =	shalt  }
0x4d: {  	_ =	shalt  }
0x4e: {  	_ =	shalt  }
0x4f: {  	_ =	shalt  }
0x50: {  	_ =	shalt  }
0x51: {  	_ =	shalt  }
0x52: {  	_ =	shalt  }
0x53: {  	_ =	shalt  }
0x54: {  	_ =	shalt  }
0x55: {  	_ =	shalt  }
0x56: {  	_ =	shalt  }
0x57: {  	_ =	shalt  }
0x58: {  	_ =	shalt  }
0x59: {  	_ =	shalt  }
0x5a: {  	_ =	shalt  }
0x5b: {  	_ =	shalt  }
0x5c: {  	_ =	shalt  }
0x5d: {  	_ =	shalt  }
0x5e: {  	_ =	shalt  }
0x5f: {  	_ =	shalt  }
0x60: {  	_ =	shalt  }
0x61: {  	_ =	shalt  }
0x62: {  	_ =	shalt  }
0x63: {  	_ =	shalt  }
0x64: {  	_ =	shalt  }
0x65: {  	_ =	shalt  }
0x66: {  	_ =	shalt  }
0x67: {  	_ =	shalt  }
0x68: {  	_ =	shalt  }
0x69: {  	_ =	shalt  }
0x6a: {  	_ =	shalt  }
0x6b: {  	_ =	shalt  }
0x6c: {  	_ =	shalt  }
0x6d: {  	_ =	shalt  }
0x6e: {  	_ =	shalt  }
0x6f: {  	_ =	shalt  }
0x70: {  	_ =	shalt  }
0x71: {  	_ =	shalt  }
0x72: {  	_ =	shalt  }
0x73: {  	_ =	shalt  }
0x74: {  	_ =	shalt  }
0x75: {  	_ =	shalt  }
0x76: {  	_ =	shalt  }
0x77: {  	_ =	shalt  }
0x78: {  	_ =	shalt  }
0x79: {  	_ =	shalt  }
0x7a: {  	_ =	shalt  }
0x7b: {  	_ =	shalt  }
0x7c: {  	_ =	shalt  }
0x7d: {  	_ =	shalt  }
0x7e: {  	_ =	shalt  }
0x7f: {  	_ =	shalt  }
0x80: {  	_ =	shalt  }
0x81: {  	_ =	shalt  }
0x82: {  	_ =	shalt  }
0x83: {  	_ =	shalt  }
0x84: {  	_ =	shalt  }
0x85: {  	_ =	shalt  }
0x86: {  	_ =	shalt  }
0x87: {  	_ =	shalt  }
.Lfunc_end0:
.L_simem_size_0:
called_computation_lowered:
.L_overlay_start_0:
0x88: {  	s2 =	sld [smem:$0x3FD9]  }
0x89: {  	s3 =	sld [smem:$0x3FFE];
	_ =	sdelay $0x1  }
0x8a: {  	s1 =	srdreg.scid  }
0x8b: {  	s0 =	sand.u32 $0x1, s1  }
0x8c: {  	s14 =	sshll.u32 s0, $0xA;
	s2 =	sadd.s32 s3, s2  }
0x8d: {  	s2 =	sadd.s32 s2, s14  }
0x8e: {  	[smem:$0x3FC6] =	sst s2  }
0x8f: {  	_ = 	snop  }
0x90: {  	s2 =	sld [smem:$0x3FD0];
	_ =	sdelay $0x2  }
0x91: {  	s4 =	simm.s32 $0xA;
	s5 =	simm.s32 $0x10;
	s15 =	sld [smem:$0x3FC8]  }
0x92: {  	[smem:s5], [sflag:s4] =	dma.local [hbm:s2], $0x1  }
0x93: {  	_ =	swait.eq [sflag:s4], $0x1  }
0x94: {  	[sflag:s4] =	ssyncset.done $0x0  }
0x95: {  	[sflag:s4] =	ssyncadd.s32 $0xFFFFFFFF  }
0x96: {  	s16 =	sld [smem:$0x10];
	(tm) =	ssettm $0x1  }
0x97: {  	s17 =	sld [smem:$0x3FFB];
	_ =	sdelay $0x3  }
0x98: {  	_ =	strace s17  }
0x99: {  	s4 =	sld [smem:$0x3FFC];
	_ =	sdelay $0x3  }
0x9a: {  	_ =	strace s4  }
0x9b: {  	s4 =	sld [smem:$0x3FFD];
	_ =	sdelay $0x3  }
0x9c: {  	_ =	strace s4  }
0x9d: {  	_ =	strace $0x8FFFFFFF  }
0x9e: {  	s18 =	sld [smem:$0x3FDB];
	_ =	sdelay $0x1  }
0x9f: {  	s19 =	simm.s32 $_scs_section_size  }
0xa0: {  	s6 =	simm.s32 $_size__tile_overlayer_lowered;
	s7 =	simm.s32 $_tile_overlayer_lowered  }
0xa1: {  	s22 =	simm.s32 $0x1BFF;
	s21 =	sshll.u32 s7, $0x1;
	s4 =	sadd.s32 s19, s18  }
0xa2: {  	s8 =	simm.s32 $0x0;
	s20 =	sshll.u32 s6, $0x1;
	s6 =	sadd.s32 s21, s4  }
0xa3: {  	[timem:s8], [sflag:s22] =	dma.local [hbm:s6], s20  }
0xa4: {  	_ =	swait.ge [sflag:s22], s20  }
0xa5: {  	s5 =	ssub.s32 $0x0, s20;
	[sflag:s22] =	ssyncset.done $0x0  }
0xa6: {  	[sflag:s22] =	ssyncadd.s32 s5;
	_ =	sdelay $0x1  }
0xa7: {  	s23 =	simm.s32 $0x1B8B  }
0xa8: {  	_ =	swait.ge [sflag:s23], $0x1  }
0xa9: {  	[sflag:s23] =	ssyncset.done $0x0  }
0xaa: {  	s25 =	simm.s32 $0x1B8E;
	s24 =	sld [smem:$0x3FFE];
	[sflag:s23] =	ssyncadd.s32 $0xFFFFFFFF  }
0xab: {  	s26 =	simm.s32 $execute0_lowered;
	[smem:$0x3FD2] =	sst s25  }
0xac: {  	s6 =	sshll.u32 s26, $0x1;
	_ =	strace $0x80000046;
	[dreg:$0x1] =	wrdreg $0xFFFFFFFF  }
0xad: {  	s28 =	simm.s32 $_size_execute0_lowered;
	s4 =	sadd.s32 s4, s6;
	[dreg:$0x0] =	wrdreg $0x0  }
0xae: {  	s6 =	sshll.u32 s28, $0x1;
	[dreg:$0x2] =	wrdreg s4  }
0xaf: {  	[dreg:$0x3] =	wrdreg s6  }
0xb0: {  	[dreg:$0x4] =	wrdreg $0xC0  }
0xb1: {  	_ =	task [dreg:s8], $0x5FFFF  }
0xb2: {  	[dreg:$0x1] =	wrdreg $0xFFFFFFFF  }
0xb3: {  	[dreg:$0x0] =	wrdreg $0x60  }
0xb4: {  	[dreg:$0x2] =	wrdreg s15  }
0xb5: {  	[dreg:$0x3] =	wrdreg s24  }
0xb6: {  	[dreg:$0x4] =	wrdreg s16  }
0xb7: {  	[dreg:$0x5] =	wrdreg $0x9  }
0xb8: {  	_ =	task.clear_ibuf [dreg:s8], $0x6FFFF;
	_ =	strace $0x90000046  }
0xb9: {  	s29 =	simm.s32 $0x9;
	_ =	strace $0x80000048  }
0xba: {  	_ =	swait.ge [sflag:s29], $0x1  }
0xbb: {  	[sflag:s29] =	ssyncadd.s32 $0xFFFFFFFF  }
0xbc: {  	_ =	strace $0x90000048  }
0xbd: {  	_ =	sfence  }
0xbe: {  	s30 =	sld [smem:$0x0];
	_ =	sdelay $0x2  }
0xbf: {  	s31 =	sshll.u32 s1, $0xD;
	s1 =	sshrl.u32 s1, $0x2  }
0xc0: {  	s3 =	sand.u32 $0x4000, s31;
	s1 =	sadd.s32 s1, s30  }
0xc1: {  	s0 =	sor.u32 s3, s0;
	s1 =	sshll.u32 s1, $0x11  }
0xc2: {  	s0 =	sor.u32 s1, s0  }
0xc3: {  	s0 =	sadd.s32 $0x8F2B, s0  }
0xc4: {  	[sflag:s0] =	ssyncadd.remote.s32 $0x1  }
0xc5: {  	_ =	sfence.sel $0xFFFF  }
0xc6: {  	[dreg:$0x0] =	wrdreg $0xFFFFFFFF;
	(pc) =	sbr.abs _section_cstart, $3  }
0xc7: {  	[dreg:$0x1] =	wrdreg $0xFFFFFFFF  }
0xc8: {  	_ =	task.clear_ibuf [dreg:s8], $0x2FFFF;
	_ =	strace $0x9FFFFFFF  }
0xc9: {  	(tm) =	ssettm $0x7FFFFFFF  }
tec
execute0_lowered:
.L_overlay_start_1:
0x0: {  	(tag) =	ssettag $0x1  }
0x1: {  	s1 =	rddreg [dreg:$0x0]  }
0x2: {  	s0 =	rddreg [dreg:$0x1];
	s2 =	srdreg.scid  }
0x3: {  	s3 =	stileid.u32;
	s4 =	rddreg [dreg:$0x2]  }
0x4: {  	s16 =	simm.s32 $0x1;
	s18 =	simm.s32 $0x980;
	s19 =	simm.s32 $0x1180  }
0x5: {  	s20 =	simm.s32 $0x1980;
	s21 =	simm.s32 $0x2180;
	s22 =	simm.s32 $0x2980  }
0x6: {  	s28 =	simm.s32 $0x5180;
	s29 =	simm.s32 $0x5980;
	s30 =	simm.s32 $0x6180  }
0x7: {  	s31 =	simm.s32 $0x6980;
	s8 =	simm.s32 $0x8980;
	s9 =	simm.s32 $0x9180  }
0x8: {  	s10 =	simm.s32 $0x9980;
	s11 =	simm.s32 $0xA180;
	s12 =	simm.s32 $0xA980  }
0x9: {  	s13 =	simm.s32 $0xB180;
	s14 =	simm.s32 $0xB980;
	s15 =	simm.s32 $0xC180  }
0xa: {  	s2 =	sand.u32 $0x1, s2;
	s5 =	sshll.u32 s3, $0x1;
	s3 =	simm.s32 $0x0  }
0xb: {  	s0 =	sadd.s32 $0xA00, s0;
	s5 =	sor.u32 s2, s5;
	s2 =	ssub.s32 $0x2, s2  }
0xc: {  	[smem:$0x7FF] =	sst s3;
	s6 =	smul.u32 $0x240, s5;
	s25 =	sshrl.u32 s2, $0x1  }
0xd: {  	_ =	strace $0x80000047;
	s5 =	smul.u32 $0x4800, s5;
	s2 =	ssub.s32 s2, s25  }
0xe: {  	s25 =	simm.s32 $0x4180;
	s7 =	sshrl.u32 s6, $0x3;
	s6 =	sadd.s32 $0x120, s6  }
0xf: {  	s5 =	sadd.s32 s4, s5;
	s7 =	sadd.s32 s0, s7;
	s23 =	sshrl.u32 s6, $0x3  }
0x10: {  	[dreg:$0x5] =	wrdreg s5;
	s24 =	sshll.u32 s6, $0x5;
	s5 =	simm.s32 $0x2  }
0x11: {  	s6 =	simm.s32 $0xC980;
	[dreg:$0x4] =	wrdreg s7;
	s0 =	sadd.s32 s0, s23  }
0x12: {  	v2 =	vlaneseq.u32;
	s26 =	sadd.s32 s4, s24;
	s4 =	smax.u32 s2, $0x1;
	s23 =	simm.s32 $0x3180  }
0x13: {  	vm0 =	vmmov $0xffff;
	v1 =	vshrl.u32 v2, $0x3;
	s24 =	simm.s32 $0x3980;
	s2 =	simm.s32 $0x7180;
	[dreg:$0x6] =	wrdreg s0  }
0x14: {  	v0 =	vand.u32 $0x7, v2;
	v2 =	vor.u32 $0x8, v2;
	v1 =	vmul.u32 $0x8, v1;
	s7 =	simm.s32 $0x8180;
	[dreg:$0x7] =	wrdreg s26;
	s26 =	simm.s32 $0x4980  }
.LBB2_1:
0x15: {  	s17 =	rddreg [dreg:$0x4]  }
0x16: {  	[tilespmem:s3], [sflag:$0x2] =	stream.linear.gather [hbm4b:s17+s3], $0x120, $0x38;
	[tilespmem:$0x12180] =	vst v63  }
0x17: {  	_ =	swait.ge [sflag:s5], $0x120  }
0x18: {  	[sflag:s5] =	ssyncset.done $0x0  }
0x19: {  	[sflag:s5] =	ssyncadd.s32 $0xFFFFFEE0  }
0x1a: {  	v3 =	vld [tilespmem:$0x0];
	_ =	sdelay $0x4  }
0x1b: {  	v4 =	vshll.u32 v3, $0x1  }
0x1c: {  	v3 =	vand.u32 $0x7, v3;
	v4 =	vand.u32 $0xFFFFFFF0, v4  }
0x1d: {  	v3 =	vor.u32 v3, v4  }
0x1e: {  	v4 =	vperm.xlane v3, v0;
	_ =	sdelay $0x1  }
0x1f: {  	v3 =	vperm.xlane v3, v2;
	v4 =	vadd.s32 v1, v4;
	_ =	sdelay $0x1  }
0x20: {  	v3 =	vadd.s32 v1, v3;
	_ =	sdelay $0x1  }
0x21: {  	s0 =	simm.s32 $0x180  }
0x22: {  	[tilespmem:s0], [sflag:$0x1] =	stream.indirect_vreg.gather [hbm4b:s1+s3], $0x80, v4, vm0, $0xb8;
	[tilespmem:$0x12180] =	vst v63  }
0x23: {  	_ = 	snop  }
0x24: {  	[tilespmem:s18], [sflag:$0x1] =	stream.indirect_vreg.gather [hbm4b:s1+s3], $0x80, v3, vm0, $0xb8;
	[tilespmem:$0x12180] =	vst v63  }
0x25: {  	v3 =	vld [tilespmem:$0x10];
	_ =	sdelay $0x4  }
0x26: {  	v29 =	vshll.u32 v3, $0x1  }
0x27: {  	v3 =	vand.u32 $0x7, v3;
	v4 =	vand.u32 $0xFFFFFFF0, v29  }
0x28: {  	v3 =	vor.u32 v3, v4  }
0x29: {  	v4 =	vperm.xlane v3, v0;
	_ =	sdelay $0x1  }
0x2a: {  	v3 =	vperm.xlane v3, v2;
	v4 =	vadd.s32 v1, v4;
	_ =	sdelay $0x1  }
0x2b: {  	v3 =	vadd.s32 v1, v3;
	_ =	sdelay $0x2  }
0x2c: {  	[tilespmem:s19], [sflag:$0x1] =	stream.indirect_vreg.gather [hbm4b:s1+s3], $0x80, v4, vm0, $0xb8;
	[tilespmem:$0x12180] =	vst v63  }
0x2d: {  	_ = 	snop  }
0x2e: {  	[tilespmem:s20], [sflag:$0x1] =	stream.indirect_vreg.gather [hbm4b:s1+s3], $0x80, v3, vm0, $0xb8;
	[tilespmem:$0x12180] =	vst v63  }
0x2f: {  	v3 =	vld [tilespmem:$0x20];
	_ =	sdelay $0x4  }
0x30: {  	v30 =	vshll.u32 v3, $0x1  }
0x31: {  	v3 =	vand.u32 $0x7, v3;
	v4 =	vand.u32 $0xFFFFFFF0, v30  }
0x32: {  	v3 =	vor.u32 v3, v4  }
0x33: {  	v4 =	vperm.xlane v3, v0;
	_ =	sdelay $0x1  }
0x34: {  	v3 =	vperm.xlane v3, v2;
	v4 =	vadd.s32 v1, v4;
	_ =	sdelay $0x1  }
0x35: {  	v3 =	vadd.s32 v1, v3;
	_ =	sdelay $0x2  }
0x36: {  	[tilespmem:s21], [sflag:$0x1] =	stream.indirect_vreg.gather [hbm4b:s1+s3], $0x80, v4, vm0, $0xb8;
	[tilespmem:$0x12180] =	vst v63  }
0x37: {  	_ = 	snop  }
0x38: {  	[tilespmem:s22], [sflag:$0x1] =	stream.indirect_vreg.gather [hbm4b:s1+s3], $0x80, v3, vm0, $0xb8;
	[tilespmem:$0x12180] =	vst v63  }
0x39: {  	v3 =	vld [tilespmem:$0x30];
	_ =	sdelay $0x4  }
0x3a: {  	v31 =	vshll.u32 v3, $0x1  }
0x3b: {  	v3 =	vand.u32 $0x7, v3;
	v4 =	vand.u32 $0xFFFFFFF0, v31  }
0x3c: {  	v3 =	vor.u32 v3, v4  }
0x3d: {  	v4 =	vperm.xlane v3, v0;
	_ =	sdelay $0x1  }
0x3e: {  	v3 =	vperm.xlane v3, v2;
	v4 =	vadd.s32 v1, v4;
	_ =	sdelay $0x1  }
0x3f: {  	v3 =	vadd.s32 v1, v3;
	_ =	sdelay $0x2  }
0x40: {  	[tilespmem:s23], [sflag:$0x1] =	stream.indirect_vreg.gather [hbm4b:s1+s3], $0x80, v4, vm0, $0xb8;
	[tilespmem:$0x12180] =	vst v63  }
0x41: {  	_ = 	snop  }
0x42: {  	[tilespmem:s24], [sflag:$0x1] =	stream.indirect_vreg.gather [hbm4b:s1+s3], $0x80, v3, vm0, $0xb8;
	[tilespmem:$0x12180] =	vst v63  }
0x43: {  	v3 =	vld [tilespmem:$0x40];
	_ =	sdelay $0x4  }
0x44: {  	v32 =	vshll.u32 v3, $0x1  }
0x45: {  	v3 =	vand.u32 $0x7, v3;
	v4 =	vand.u32 $0xFFFFFFF0, v32  }
0x46: {  	v3 =	vor.u32 v3, v4  }
0x47: {  	v4 =	vperm.xlane v3, v0;
	_ =	sdelay $0x1  }
0x48: {  	v3 =	vperm.xlane v3, v2;
	v4 =	vadd.s32 v1, v4;
	_ =	sdelay $0x1  }
0x49: {  	v3 =	vadd.s32 v1, v3;
	_ =	sdelay $0x2  }
0x4a: {  	[tilespmem:s25], [sflag:$0x1] =	stream.indirect_vreg.gather [hbm4b:s1+s3], $0x80, v4, vm0, $0xb8;
	[tilespmem:$0x12180] =	vst v63  }
0x4b: {  	_ = 	snop  }
0x4c: {  	[tilespmem:s26], [sflag:$0x1] =	stream.indirect_vreg.gather [hbm4b:s1+s3], $0x80, v3, vm0, $0xb8;
	[tilespmem:$0x12180] =	vst v63  }
0x4d: {  	v3 =	vld [tilespmem:$0x50];
	_ =	sdelay $0x4  }
0x4e: {  	v33 =	vshll.u32 v3, $0x1  }
0x4f: {  	v3 =	vand.u32 $0x7, v3;
	v4 =	vand.u32 $0xFFFFFFF0, v33  }
0x50: {  	v3 =	vor.u32 v3, v4  }
0x51: {  	v4 =	vperm.xlane v3, v0;
	_ =	sdelay $0x1  }
0x52: {  	v3 =	vperm.xlane v3, v2;
	v4 =	vadd.s32 v1, v4;
	_ =	sdelay $0x1  }
0x53: {  	v3 =	vadd.s32 v1, v3;
	_ =	sdelay $0x2  }
0x54: {  	[tilespmem:s28], [sflag:$0x1] =	stream.indirect_vreg.gather [hbm4b:s1+s3], $0x80, v4, vm0, $0xb8;
	[tilespmem:$0x12180] =	vst v63  }
0x55: {  	_ = 	snop  }
0x56: {  	[tilespmem:s29], [sflag:$0x1] =	stream.indirect_vreg.gather [hbm4b:s1+s3], $0x80, v3, vm0, $0xb8;
	[tilespmem:$0x12180] =	vst v63  }
0x57: {  	v3 =	vld [tilespmem:$0x60];
	_ =	sdelay $0x4  }
0x58: {  	v34 =	vshll.u32 v3, $0x1  }
0x59: {  	v3 =	vand.u32 $0x7, v3;
	v4 =	vand.u32 $0xFFFFFFF0, v34  }
0x5a: {  	v3 =	vor.u32 v3, v4  }
0x5b: {  	v4 =	vperm.xlane v3, v0;
	_ =	sdelay $0x1  }
0x5c: {  	v3 =	vperm.xlane v3, v2;
	v4 =	vadd.s32 v1, v4;
	_ =	sdelay $0x1  }
0x5d: {  	v3 =	vadd.s32 v1, v3;
	_ =	sdelay $0x2  }
0x5e: {  	[tilespmem:s30], [sflag:$0x1] =	stream.indirect_vreg.gather [hbm4b:s1+s3], $0x80, v4, vm0, $0xb8;
	[tilespmem:$0x12180] =	vst v63  }
0x5f: {  	_ = 	snop  }
0x60: {  	[tilespmem:s31], [sflag:$0x1] =	stream.indirect_vreg.gather [hbm4b:s1+s3], $0x80, v3, vm0, $0xb8;
	[tilespmem:$0x12180] =	vst v63  }
0x61: {  	v3 =	vld [tilespmem:$0x70];
	_ =	sdelay $0x4  }
0x62: {  	v35 =	vshll.u32 v3, $0x1  }
0x63: {  	v3 =	vand.u32 $0x7, v3;
	v4 =	vand.u32 $0xFFFFFFF0, v35  }
0x64: {  	v3 =	vor.u32 v3, v4  }
0x65: {  	v4 =	vperm.xlane v3, v0;
	_ =	sdelay $0x1  }
0x66: {  	v3 =	vperm.xlane v3, v2;
	v4 =	vadd.s32 v1, v4;
	_ =	sdelay $0x1  }
0x67: {  	v3 =	vadd.s32 v1, v3;
	_ =	sdelay $0x2  }
0x68: {  	[tilespmem:s2], [sflag:$0x1] =	stream.indirect_vreg.gather [hbm4b:s1+s3], $0x80, v4, vm0, $0xb8;
	[tilespmem:$0x12180] =	vst v63  }
0x69: {  	s17 =	simm.s32 $0x7980  }
0x6a: {  	[tilespmem:s17], [sflag:$0x1] =	stream.indirect_vreg.gather [hbm4b:s1+s3], $0x80, v3, vm0, $0xb8;
	[tilespmem:$0x12180] =	vst v63  }
0x6b: {  	v3 =	vld [tilespmem:$0x80];
	_ =	sdelay $0x4  }
0x6c: {  	v36 =	vshll.u32 v3, $0x1  }
0x6d: {  	v3 =	vand.u32 $0x7, v3;
	v4 =	vand.u32 $0xFFFFFFF0, v36  }
0x6e: {  	v3 =	vor.u32 v3, v4  }
0x6f: {  	v4 =	vperm.xlane v3, v0;
	_ =	sdelay $0x1  }
0x70: {  	v3 =	vperm.xlane v3, v2;
	v4 =	vadd.s32 v1, v4;
	_ =	sdelay $0x1  }
0x71: {  	v3 =	vadd.s32 v1, v3;
	_ =	sdelay $0x2  }
0x72: {  	[tilespmem:s7], [sflag:$0x1] =	stream.indirect_vreg.gather [hbm4b:s1+s3], $0x80, v4, vm0, $0xb8;
	[tilespmem:$0x12180] =	vst v63  }
0x73: {  	_ = 	snop  }
0x74: {  	[tilespmem:s8], [sflag:$0x1] =	stream.indirect_vreg.gather [hbm4b:s1+s3], $0x80, v3, vm0, $0xb8;
	[tilespmem:$0x12180] =	vst v63  }
0x75: {  	v3 =	vld [tilespmem:$0x90];
	_ =	sdelay $0x4  }
0x76: {  	v37 =	vshll.u32 v3, $0x1  }
0x77: {  	v3 =	vand.u32 $0x7, v3;
	v4 =	vand.u32 $0xFFFFFFF0, v37  }
0x78: {  	v3 =	vor.u32 v3, v4  }
0x79: {  	v4 =	vperm.xlane v3, v0;
	_ =	sdelay $0x1  }
0x7a: {  	v3 =	vperm.xlane v3, v2;
	v4 =	vadd.s32 v1, v4;
	_ =	sdelay $0x1  }
0x7b: {  	v3 =	vadd.s32 v1, v3;
	_ =	sdelay $0x2  }
0x7c: {  	[tilespmem:s9], [sflag:$0x1] =	stream.indirect_vreg.gather [hbm4b:s1+s3], $0x80, v4, vm0, $0xb8;
	[tilespmem:$0x12180] =	vst v63  }
0x7d: {  	_ = 	snop  }
0x7e: {  	[tilespmem:s10], [sflag:$0x1] =	stream.indirect_vreg.gather [hbm4b:s1+s3], $0x80, v3, vm0, $0xb8;
	[tilespmem:$0x12180] =	vst v63  }
0x7f: {  	v3 =	vld [tilespmem:$0xA0];
	_ =	sdelay $0x4  }
0x80: {  	v38 =	vshll.u32 v3, $0x1  }
0x81: {  	v3 =	vand.u32 $0x7, v3;
	v4 =	vand.u32 $0xFFFFFFF0, v38  }
0x82: {  	v3 =	vor.u32 v3, v4  }
0x83: {  	v4 =	vperm.xlane v3, v0;
	_ =	sdelay $0x1  }
0x84: {  	v3 =	vperm.xlane v3, v2;
	v4 =	vadd.s32 v1, v4;
	_ =	sdelay $0x1  }
0x85: {  	v3 =	vadd.s32 v1, v3;
	_ =	sdelay $0x2  }
0x86: {  	[tilespmem:s11], [sflag:$0x1] =	stream.indirect_vreg.gather [hbm4b:s1+s3], $0x80, v4, vm0, $0xb8;
	[tilespmem:$0x12180] =	vst v63  }
0x87: {  	_ = 	snop  }
0x88: {  	[tilespmem:s12], [sflag:$0x1] =	stream.indirect_vreg.gather [hbm4b:s1+s3], $0x80, v3, vm0, $0xb8;
	[tilespmem:$0x12180] =	vst v63  }
0x89: {  	v3 =	vld [tilespmem:$0xB0];
	_ =	sdelay $0x4  }
0x8a: {  	v39 =	vshll.u32 v3, $0x1  }
0x8b: {  	v3 =	vand.u32 $0x7, v3;
	v4 =	vand.u32 $0xFFFFFFF0, v39  }
0x8c: {  	v3 =	vor.u32 v3, v4  }
0x8d: {  	v4 =	vperm.xlane v3, v0;
	_ =	sdelay $0x1  }
0x8e: {  	v3 =	vperm.xlane v3, v2;
	v4 =	vadd.s32 v1, v4;
	_ =	sdelay $0x1  }
0x8f: {  	v3 =	vadd.s32 v1, v3;
	_ =	sdelay $0x2  }
0x90: {  	[tilespmem:s13], [sflag:$0x1] =	stream.indirect_vreg.gather [hbm4b:s1+s3], $0x80, v4, vm0, $0xb8;
	[tilespmem:$0x12180] =	vst v63  }
0x91: {  	_ = 	snop  }
0x92: {  	[tilespmem:s14], [sflag:$0x1] =	stream.indirect_vreg.gather [hbm4b:s1+s3], $0x80, v3, vm0, $0xb8;
	[tilespmem:$0x12180] =	vst v63  }
0x93: {  	v3 =	vld [tilespmem:$0xC0];
	_ =	sdelay $0x4  }
0x94: {  	v40 =	vshll.u32 v3, $0x1  }
0x95: {  	v3 =	vand.u32 $0x7, v3;
	v4 =	vand.u32 $0xFFFFFFF0, v40  }
0x96: {  	v3 =	vor.u32 v3, v4  }
0x97: {  	v4 =	vperm.xlane v3, v0;
	_ =	sdelay $0x1  }
0x98: {  	v3 =	vperm.xlane v3, v2;
	v4 =	vadd.s32 v1, v4;
	_ =	sdelay $0x1  }
0x99: {  	v3 =	vadd.s32 v1, v3;
	_ =	sdelay $0x2  }
0x9a: {  	[tilespmem:s15], [sflag:$0x1] =	stream.indirect_vreg.gather [hbm4b:s1+s3], $0x80, v4, vm0, $0xb8;
	[tilespmem:$0x12180] =	vst v63  }
0x9b: {  	_ = 	snop  }
0x9c: {  	[tilespmem:s6], [sflag:$0x1] =	stream.indirect_vreg.gather [hbm4b:s1+s3], $0x80, v3, vm0, $0xb8;
	[tilespmem:$0x12180] =	vst v63  }
0x9d: {  	v3 =	vld [tilespmem:$0xD0];
	_ =	sdelay $0x4  }
0x9e: {  	v41 =	vshll.u32 v3, $0x1  }
0x9f: {  	v3 =	vand.u32 $0x7, v3;
	v4 =	vand.u32 $0xFFFFFFF0, v41  }
0xa0: {  	v3 =	vor.u32 v3, v4  }
0xa1: {  	v4 =	vperm.xlane v3, v0;
	_ =	sdelay $0x1  }
0xa2: {  	v3 =	vperm.xlane v3, v2;
	v4 =	vadd.s32 v1, v4;
	_ =	sdelay $0x1  }
0xa3: {  	v3 =	vadd.s32 v1, v3;
	_ =	sdelay $0x1  }
0xa4: {  	s17 =	simm.s32 $0xD180  }
0xa5: {  	[tilespmem:s17], [sflag:$0x1] =	stream.indirect_vreg.gather [hbm4b:s1+s3], $0x80, v4, vm0, $0xb8;
	[tilespmem:$0x12180] =	vst v63  }
0xa6: {  	s17 =	simm.s32 $0xD980  }
0xa7: {  	[tilespmem:s17], [sflag:$0x1] =	stream.indirect_vreg.gather [hbm4b:s1+s3], $0x80, v3, vm0, $0xb8;
	[tilespmem:$0x12180] =	vst v63  }
0xa8: {  	v3 =	vld [tilespmem:$0xE0];
	_ =	sdelay $0x4  }
0xa9: {  	v42 =	vshll.u32 v3, $0x1  }
0xaa: {  	v3 =	vand.u32 $0x7, v3;
	v4 =	vand.u32 $0xFFFFFFF0, v42  }
0xab: {  	v3 =	vor.u32 v3, v4  }
0xac: {  	v4 =	vperm.xlane v3, v0;
	_ =	sdelay $0x1  }
0xad: {  	v3 =	vperm.xlane v3, v2;
	v4 =	vadd.s32 v1, v4;
	_ =	sdelay $0x1  }
0xae: {  	v3 =	vadd.s32 v1, v3;
	_ =	sdelay $0x1  }
0xaf: {  	s17 =	simm.s32 $0xE180  }
0xb0: {  	[tilespmem:s17], [sflag:$0x1] =	stream.indirect_vreg.gather [hbm4b:s1+s3], $0x80, v4, vm0, $0xb8;
	[tilespmem:$0x12180] =	vst v63  }
0xb1: {  	s17 =	simm.s32 $0xE980  }
0xb2: {  	[tilespmem:s17], [sflag:$0x1] =	stream.indirect_vreg.gather [hbm4b:s1+s3], $0x80, v3, vm0, $0xb8;
	[tilespmem:$0x12180] =	vst v63  }
0xb3: {  	v3 =	vld [tilespmem:$0xF0];
	_ =	sdelay $0x4  }
0xb4: {  	v43 =	vshll.u32 v3, $0x1  }
0xb5: {  	v3 =	vand.u32 $0x7, v3;
	v4 =	vand.u32 $0xFFFFFFF0, v43  }
0xb6: {  	v3 =	vor.u32 v3, v4  }
0xb7: {  	v4 =	vperm.xlane v3, v0;
	_ =	sdelay $0x1  }
0xb8: {  	v3 =	vperm.xlane v3, v2;
	v4 =	vadd.s32 v1, v4;
	_ =	sdelay $0x1  }
0xb9: {  	v3 =	vadd.s32 v1, v3;
	_ =	sdelay $0x1  }
0xba: {  	s17 =	simm.s32 $0xF180  }
0xbb: {  	[tilespmem:s17], [sflag:$0x1] =	stream.indirect_vreg.gather [hbm4b:s1+s3], $0x80, v4, vm0, $0xb8;
	[tilespmem:$0x12180] =	vst v63  }
0xbc: {  	s17 =	simm.s32 $0xF980  }
0xbd: {  	[tilespmem:s17], [sflag:$0x1] =	stream.indirect_vreg.gather [hbm4b:s1+s3], $0x80, v3, vm0, $0xb8;
	[tilespmem:$0x12180] =	vst v63  }
0xbe: {  	v3 =	vld [tilespmem:$0x100];
	_ =	sdelay $0x4  }
0xbf: {  	v44 =	vshll.u32 v3, $0x1  }
0xc0: {  	v3 =	vand.u32 $0x7, v3;
	v4 =	vand.u32 $0xFFFFFFF0, v44  }
0xc1: {  	v3 =	vor.u32 v3, v4  }
0xc2: {  	v4 =	vperm.xlane v3, v0;
	_ =	sdelay $0x1  }
0xc3: {  	v3 =	vperm.xlane v3, v2;
	v4 =	vadd.s32 v1, v4;
	_ =	sdelay $0x1  }
0xc4: {  	v3 =	vadd.s32 v1, v3;
	_ =	sdelay $0x1  }
0xc5: {  	s17 =	simm.s32 $0x10180  }
0xc6: {  	[tilespmem:s17], [sflag:$0x1] =	stream.indirect_vreg.gather [hbm4b:s1+s3], $0x80, v4, vm0, $0xb8;
	[tilespmem:$0x12180] =	vst v63  }
0xc7: {  	s17 =	simm.s32 $0x10980  }
0xc8: {  	[tilespmem:s17], [sflag:$0x1] =	stream.indirect_vreg.gather [hbm4b:s1+s3], $0x80, v3, vm0, $0xb8;
	[tilespmem:$0x12180] =	vst v63  }
0xc9: {  	v3 =	vld [tilespmem:$0x110];
	_ =	sdelay $0x4  }
0xca: {  	v45 =	vshll.u32 v3, $0x1  }
0xcb: {  	v3 =	vand.u32 $0x7, v3;
	v4 =	vand.u32 $0xFFFFFFF0, v45  }
0xcc: {  	v3 =	vor.u32 v3, v4  }
0xcd: {  	v4 =	vperm.xlane v3, v0;
	_ =	sdelay $0x1  }
0xce: {  	v3 =	vperm.xlane v3, v2;
	v4 =	vadd.s32 v1, v4;
	_ =	sdelay $0x1  }
0xcf: {  	v3 =	vadd.s32 v1, v3;
	_ =	sdelay $0x1  }
0xd0: {  	s17 =	simm.s32 $0x11180  }
0xd1: {  	[tilespmem:s17], [sflag:$0x1] =	stream.indirect_vreg.gather [hbm4b:s1+s3], $0x80, v4, vm0, $0xb8;
	[tilespmem:$0x12180] =	vst v63  }
0xd2: {  	s17 =	simm.s32 $0x11980  }
0xd3: {  	[tilespmem:s17], [sflag:$0x1] =	stream.indirect_vreg.gather [hbm4b:s1+s3], $0x80, v3, vm0, $0xb8;
	[tilespmem:$0x12180] =	vst v63  }
0xd4: {  	_ =	swait.ge [sflag:s16], $0x12000  }
0xd5: {  	[sflag:s16] =	ssyncset.done $0x0  }
0xd6: {  	s0 =	simm.s32 $0x180;
	s17 =	rddreg [dreg:$0x5];
	[sflag:s16] =	ssyncadd.s32 $0xFFFEE000  }
0xd7: {  	[hbm4b:s17+s3] =	stream.linear.scatter [tilespmem:s0], [sflag:$0x2], $0x12000, $0x38;
	[tilespmem:$0x12180] =	vst v63  }
0xd8: {  	_ =	swait.ge [sflag:s5], $0x12000  }
0xd9: {  	[sflag:s5] =	ssyncset.done $0x0  }
0xda: {  	s17 =	rddreg [dreg:$0x6];
	[sflag:s5] =	ssyncadd.s32 $0xFFFEE000  }
0xdb: {  	[tilespmem:s3], [sflag:$0x2] =	stream.linear.gather [hbm4b:s17+s3], $0x120, $0x38;
	[tilespmem:$0x12180] =	vst v63  }
0xdc: {  	_ =	swait.ge [sflag:s5], $0x120  }
0xdd: {  	[sflag:s5] =	ssyncset.done $0x0  }
0xde: {  	[sflag:s5] =	ssyncadd.s32 $0xFFFFFEE0  }
0xdf: {  	v3 =	vld [tilespmem:$0x0];
	_ =	sdelay $0x4  }
0xe0: {  	v46 =	vshll.u32 v3, $0x1  }
0xe1: {  	v3 =	vand.u32 $0x7, v3;
	v4 =	vand.u32 $0xFFFFFFF0, v46  }
0xe2: {  	v3 =	vor.u32 v3, v4  }
0xe3: {  	v4 =	vperm.xlane v3, v0;
	_ =	sdelay $0x1  }
0xe4: {  	v3 =	vperm.xlane v3, v2;
	v4 =	vadd.s32 v1, v4;
	_ =	sdelay $0x1  }
0xe5: {  	v3 =	vadd.s32 v1, v3;
	_ =	sdelay $0x2  }
0xe6: {  	[tilespmem:s0], [sflag:$0x1] =	stream.indirect_vreg.gather [hbm4b:s1+s3], $0x80, v4, vm0, $0xb8;
	[tilespmem:$0x12180] =	vst v63  }
0xe7: {  	_ = 	snop  }
0xe8: {  	[tilespmem:s18], [sflag:$0x1] =	stream.indirect_vreg.gather [hbm4b:s1+s3], $0x80, v3, vm0, $0xb8;
	[tilespmem:$0x12180] =	vst v63  }
0xe9: {  	v3 =	vld [tilespmem:$0x10];
	_ =	sdelay $0x4  }
0xea: {  	v47 =	vshll.u32 v3, $0x1  }
0xeb: {  	v3 =	vand.u32 $0x7, v3;
	v4 =	vand.u32 $0xFFFFFFF0, v47  }
0xec: {  	v3 =	vor.u32 v3, v4  }
0xed: {  	v4 =	vperm.xlane v3, v0;
	_ =	sdelay $0x1  }
0xee: {  	v3 =	vperm.xlane v3, v2;
	v4 =	vadd.s32 v1, v4;
	_ =	sdelay $0x1  }
0xef: {  	v3 =	vadd.s32 v1, v3;
	_ =	sdelay $0x2  }
0xf0: {  	[tilespmem:s19], [sflag:$0x1] =	stream.indirect_vreg.gather [hbm4b:s1+s3], $0x80, v4, vm0, $0xb8;
	[tilespmem:$0x12180] =	vst v63  }
0xf1: {  	_ = 	snop  }
0xf2: {  	[tilespmem:s20], [sflag:$0x1] =	stream.indirect_vreg.gather [hbm4b:s1+s3], $0x80, v3, vm0, $0xb8;
	[tilespmem:$0x12180] =	vst v63  }
0xf3: {  	v3 =	vld [tilespmem:$0x20];
	_ =	sdelay $0x4  }
0xf4: {  	v48 =	vshll.u32 v3, $0x1  }
0xf5: {  	v3 =	vand.u32 $0x7, v3;
	v4 =	vand.u32 $0xFFFFFFF0, v48  }
0xf6: {  	v3 =	vor.u32 v3, v4  }
0xf7: {  	v4 =	vperm.xlane v3, v0;
	_ =	sdelay $0x1  }
0xf8: {  	v3 =	vperm.xlane v3, v2;
	v4 =	vadd.s32 v1, v4;
	_ =	sdelay $0x1  }
0xf9: {  	v3 =	vadd.s32 v1, v3;
	_ =	sdelay $0x2  }
0xfa: {  	[tilespmem:s21], [sflag:$0x1] =	stream.indirect_vreg.gather [hbm4b:s1+s3], $0x80, v4, vm0, $0xb8;
	[tilespmem:$0x12180] =	vst v63  }
0xfb: {  	_ = 	snop  }
0xfc: {  	[tilespmem:s22], [sflag:$0x1] =	stream.indirect_vreg.gather [hbm4b:s1+s3], $0x80, v3, vm0, $0xb8;
	[tilespmem:$0x12180] =	vst v63  }
0xfd: {  	v3 =	vld [tilespmem:$0x30];
	_ =	sdelay $0x4  }
0xfe: {  	v49 =	vshll.u32 v3, $0x1  }
0xff: {  	v3 =	vand.u32 $0x7, v3;
	v4 =	vand.u32 $0xFFFFFFF0, v49  }
0x100: {  	v3 =	vor.u32 v3, v4  }
0x101: {  	v4 =	vperm.xlane v3, v0;
	_ =	sdelay $0x1  }
0x102: {  	v3 =	vperm.xlane v3, v2;
	v4 =	vadd.s32 v1, v4;
	_ =	sdelay $0x1  }
0x103: {  	v3 =	vadd.s32 v1, v3;
	_ =	sdelay $0x2  }
0x104: {  	[tilespmem:s23], [sflag:$0x1] =	stream.indirect_vreg.gather [hbm4b:s1+s3], $0x80, v4, vm0, $0xb8;
	[tilespmem:$0x12180] =	vst v63  }
0x105: {  	_ = 	snop  }
0x106: {  	[tilespmem:s24], [sflag:$0x1] =	stream.indirect_vreg.gather [hbm4b:s1+s3], $0x80, v3, vm0, $0xb8;
	[tilespmem:$0x12180] =	vst v63  }
0x107: {  	v3 =	vld [tilespmem:$0x40];
	_ =	sdelay $0x4  }
0x108: {  	v50 =	vshll.u32 v3, $0x1  }
0x109: {  	v3 =	vand.u32 $0x7, v3;
	v4 =	vand.u32 $0xFFFFFFF0, v50  }
0x10a: {  	v3 =	vor.u32 v3, v4  }
0x10b: {  	v4 =	vperm.xlane v3, v0;
	_ =	sdelay $0x1  }
0x10c: {  	v3 =	vperm.xlane v3, v2;
	v4 =	vadd.s32 v1, v4;
	_ =	sdelay $0x1  }
0x10d: {  	v3 =	vadd.s32 v1, v3;
	_ =	sdelay $0x2  }
0x10e: {  	[tilespmem:s25], [sflag:$0x1] =	stream.indirect_vreg.gather [hbm4b:s1+s3], $0x80, v4, vm0, $0xb8;
	[tilespmem:$0x12180] =	vst v63  }
0x10f: {  	_ = 	snop  }
0x110: {  	[tilespmem:s26], [sflag:$0x1] =	stream.indirect_vreg.gather [hbm4b:s1+s3], $0x80, v3, vm0, $0xb8;
	[tilespmem:$0x12180] =	vst v63  }
0x111: {  	v3 =	vld [tilespmem:$0x50];
	_ =	sdelay $0x4  }
0x112: {  	v51 =	vshll.u32 v3, $0x1  }
0x113: {  	v3 =	vand.u32 $0x7, v3;
	v4 =	vand.u32 $0xFFFFFFF0, v51  }
0x114: {  	v3 =	vor.u32 v3, v4  }
0x115: {  	v4 =	vperm.xlane v3, v0;
	_ =	sdelay $0x1  }
0x116: {  	v3 =	vperm.xlane v3, v2;
	v4 =	vadd.s32 v1, v4;
	_ =	sdelay $0x1  }
0x117: {  	v3 =	vadd.s32 v1, v3;
	_ =	sdelay $0x2  }
0x118: {  	[tilespmem:s28], [sflag:$0x1] =	stream.indirect_vreg.gather [hbm4b:s1+s3], $0x80, v4, vm0, $0xb8;
	[tilespmem:$0x12180] =	vst v63  }
0x119: {  	_ = 	snop  }
0x11a: {  	[tilespmem:s29], [sflag:$0x1] =	stream.indirect_vreg.gather [hbm4b:s1+s3], $0x80, v3, vm0, $0xb8;
	[tilespmem:$0x12180] =	vst v63  }
0x11b: {  	v3 =	vld [tilespmem:$0x60];
	_ =	sdelay $0x4  }
0x11c: {  	v52 =	vshll.u32 v3, $0x1  }
0x11d: {  	v3 =	vand.u32 $0x7, v3;
	v4 =	vand.u32 $0xFFFFFFF0, v52  }
0x11e: {  	v3 =	vor.u32 v3, v4  }
0x11f: {  	v4 =	vperm.xlane v3, v0;
	_ =	sdelay $0x1  }
0x120: {  	v3 =	vperm.xlane v3, v2;
	v4 =	vadd.s32 v1, v4;
	_ =	sdelay $0x1  }
0x121: {  	v3 =	vadd.s32 v1, v3;
	_ =	sdelay $0x2  }
0x122: {  	[tilespmem:s30], [sflag:$0x1] =	stream.indirect_vreg.gather [hbm4b:s1+s3], $0x80, v4, vm0, $0xb8;
	[tilespmem:$0x12180] =	vst v63  }
0x123: {  	_ = 	snop  }
0x124: {  	[tilespmem:s31], [sflag:$0x1] =	stream.indirect_vreg.gather [hbm4b:s1+s3], $0x80, v3, vm0, $0xb8;
	[tilespmem:$0x12180] =	vst v63  }
0x125: {  	v3 =	vld [tilespmem:$0x70];
	_ =	sdelay $0x4  }
0x126: {  	v53 =	vshll.u32 v3, $0x1  }
0x127: {  	v3 =	vand.u32 $0x7, v3;
	v4 =	vand.u32 $0xFFFFFFF0, v53  }
0x128: {  	v3 =	vor.u32 v3, v4  }
0x129: {  	v4 =	vperm.xlane v3, v0;
	_ =	sdelay $0x1  }
0x12a: {  	v3 =	vperm.xlane v3, v2;
	v4 =	vadd.s32 v1, v4;
	_ =	sdelay $0x1  }
0x12b: {  	v3 =	vadd.s32 v1, v3;
	_ =	sdelay $0x2  }
0x12c: {  	[tilespmem:s2], [sflag:$0x1] =	stream.indirect_vreg.gather [hbm4b:s1+s3], $0x80, v4, vm0, $0xb8;
	[tilespmem:$0x12180] =	vst v63  }
0x12d: {  	s17 =	simm.s32 $0x7980  }
0x12e: {  	[tilespmem:s17], [sflag:$0x1] =	stream.indirect_vreg.gather [hbm4b:s1+s3], $0x80, v3, vm0, $0xb8;
	[tilespmem:$0x12180] =	vst v63  }
0x12f: {  	v3 =	vld [tilespmem:$0x80];
	_ =	sdelay $0x4  }
0x130: {  	v54 =	vshll.u32 v3, $0x1  }
0x131: {  	v3 =	vand.u32 $0x7, v3;
	v4 =	vand.u32 $0xFFFFFFF0, v54  }
0x132: {  	v3 =	vor.u32 v3, v4  }
0x133: {  	v4 =	vperm.xlane v3, v0;
	_ =	sdelay $0x1  }
0x134: {  	v3 =	vperm.xlane v3, v2;
	v4 =	vadd.s32 v1, v4;
	_ =	sdelay $0x1  }
0x135: {  	v3 =	vadd.s32 v1, v3;
	_ =	sdelay $0x2  }
0x136: {  	[tilespmem:s7], [sflag:$0x1] =	stream.indirect_vreg.gather [hbm4b:s1+s3], $0x80, v4, vm0, $0xb8;
	[tilespmem:$0x12180] =	vst v63  }
0x137: {  	_ = 	snop  }
0x138: {  	[tilespmem:s8], [sflag:$0x1] =	stream.indirect_vreg.gather [hbm4b:s1+s3], $0x80, v3, vm0, $0xb8;
	[tilespmem:$0x12180] =	vst v63  }
0x139: {  	v3 =	vld [tilespmem:$0x90];
	_ =	sdelay $0x4  }
0x13a: {  	v55 =	vshll.u32 v3, $0x1  }
0x13b: {  	v3 =	vand.u32 $0x7, v3;
	v4 =	vand.u32 $0xFFFFFFF0, v55  }
0x13c: {  	v3 =	vor.u32 v3, v4  }
0x13d: {  	v4 =	vperm.xlane v3, v0;
	_ =	sdelay $0x1  }
0x13e: {  	v3 =	vperm.xlane v3, v2;
	v4 =	vadd.s32 v1, v4;
	_ =	sdelay $0x1  }
0x13f: {  	v3 =	vadd.s32 v1, v3;
	_ =	sdelay $0x2  }
0x140: {  	[tilespmem:s9], [sflag:$0x1] =	stream.indirect_vreg.gather [hbm4b:s1+s3], $0x80, v4, vm0, $0xb8;
	[tilespmem:$0x12180] =	vst v63  }
0x141: {  	_ = 	snop  }
0x142: {  	[tilespmem:s10], [sflag:$0x1] =	stream.indirect_vreg.gather [hbm4b:s1+s3], $0x80, v3, vm0, $0xb8;
	[tilespmem:$0x12180] =	vst v63  }
0x143: {  	v3 =	vld [tilespmem:$0xA0];
	_ =	sdelay $0x4  }
0x144: {  	v56 =	vshll.u32 v3, $0x1  }
0x145: {  	v3 =	vand.u32 $0x7, v3;
	v4 =	vand.u32 $0xFFFFFFF0, v56  }
0x146: {  	v3 =	vor.u32 v3, v4  }
0x147: {  	v4 =	vperm.xlane v3, v0;
	_ =	sdelay $0x1  }
0x148: {  	v3 =	vperm.xlane v3, v2;
	v4 =	vadd.s32 v1, v4;
	_ =	sdelay $0x1  }
0x149: {  	v3 =	vadd.s32 v1, v3;
	_ =	sdelay $0x2  }
0x14a: {  	[tilespmem:s11], [sflag:$0x1] =	stream.indirect_vreg.gather [hbm4b:s1+s3], $0x80, v4, vm0, $0xb8;
	[tilespmem:$0x12180] =	vst v63  }
0x14b: {  	_ = 	snop  }
0x14c: {  	[tilespmem:s12], [sflag:$0x1] =	stream.indirect_vreg.gather [hbm4b:s1+s3], $0x80, v3, vm0, $0xb8;
	[tilespmem:$0x12180] =	vst v63  }
0x14d: {  	v3 =	vld [tilespmem:$0xB0];
	_ =	sdelay $0x4  }
0x14e: {  	v57 =	vshll.u32 v3, $0x1  }
0x14f: {  	v3 =	vand.u32 $0x7, v3;
	v4 =	vand.u32 $0xFFFFFFF0, v57  }
0x150: {  	v3 =	vor.u32 v3, v4  }
0x151: {  	v4 =	vperm.xlane v3, v0;
	_ =	sdelay $0x1  }
0x152: {  	v3 =	vperm.xlane v3, v2;
	v4 =	vadd.s32 v1, v4;
	_ =	sdelay $0x1  }
0x153: {  	v3 =	vadd.s32 v1, v3;
	_ =	sdelay $0x2  }
0x154: {  	[tilespmem:s13], [sflag:$0x1] =	stream.indirect_vreg.gather [hbm4b:s1+s3], $0x80, v4, vm0, $0xb8;
	[tilespmem:$0x12180] =	vst v63  }
0x155: {  	_ = 	snop  }
0x156: {  	[tilespmem:s14], [sflag:$0x1] =	stream.indirect_vreg.gather [hbm4b:s1+s3], $0x80, v3, vm0, $0xb8;
	[tilespmem:$0x12180] =	vst v63  }
0x157: {  	v3 =	vld [tilespmem:$0xC0];
	_ =	sdelay $0x4  }
0x158: {  	v58 =	vshll.u32 v3, $0x1  }
0x159: {  	v3 =	vand.u32 $0x7, v3;
	v4 =	vand.u32 $0xFFFFFFF0, v58  }
0x15a: {  	v3 =	vor.u32 v3, v4  }
0x15b: {  	v4 =	vperm.xlane v3, v0;
	_ =	sdelay $0x1  }
0x15c: {  	v3 =	vperm.xlane v3, v2;
	v4 =	vadd.s32 v1, v4;
	_ =	sdelay $0x1  }
0x15d: {  	v3 =	vadd.s32 v1, v3;
	_ =	sdelay $0x2  }
0x15e: {  	[tilespmem:s15], [sflag:$0x1] =	stream.indirect_vreg.gather [hbm4b:s1+s3], $0x80, v4, vm0, $0xb8;
	[tilespmem:$0x12180] =	vst v63  }
0x15f: {  	_ = 	snop  }
0x160: {  	[tilespmem:s6], [sflag:$0x1] =	stream.indirect_vreg.gather [hbm4b:s1+s3], $0x80, v3, vm0, $0xb8;
	[tilespmem:$0x12180] =	vst v63  }
0x161: {  	v3 =	vld [tilespmem:$0xD0];
	_ =	sdelay $0x4  }
0x162: {  	v59 =	vshll.u32 v3, $0x1  }
0x163: {  	v3 =	vand.u32 $0x7, v3;
	v4 =	vand.u32 $0xFFFFFFF0, v59  }
0x164: {  	v3 =	vor.u32 v3, v4  }
0x165: {  	v4 =	vperm.xlane v3, v0;
	_ =	sdelay $0x1  }
0x166: {  	v3 =	vperm.xlane v3, v2;
	v4 =	vadd.s32 v1, v4;
	_ =	sdelay $0x1  }
0x167: {  	v3 =	vadd.s32 v1, v3;
	_ =	sdelay $0x1  }
0x168: {  	s17 =	simm.s32 $0xD180  }
0x169: {  	[tilespmem:s17], [sflag:$0x1] =	stream.indirect_vreg.gather [hbm4b:s1+s3], $0x80, v4, vm0, $0xb8;
	[tilespmem:$0x12180] =	vst v63  }
0x16a: {  	s17 =	simm.s32 $0xD980  }
0x16b: {  	[tilespmem:s17], [sflag:$0x1] =	stream.indirect_vreg.gather [hbm4b:s1+s3], $0x80, v3, vm0, $0xb8;
	[tilespmem:$0x12180] =	vst v63  }
0x16c: {  	v3 =	vld [tilespmem:$0xE0];
	_ =	sdelay $0x4  }
0x16d: {  	v60 =	vshll.u32 v3, $0x1  }
0x16e: {  	v3 =	vand.u32 $0x7, v3;
	v4 =	vand.u32 $0xFFFFFFF0, v60  }
0x16f: {  	v3 =	vor.u32 v3, v4  }
0x170: {  	v4 =	vperm.xlane v3, v0;
	_ =	sdelay $0x1  }
0x171: {  	v3 =	vperm.xlane v3, v2;
	v4 =	vadd.s32 v1, v4;
	_ =	sdelay $0x1  }
0x172: {  	v3 =	vadd.s32 v1, v3;
	_ =	sdelay $0x1  }
0x173: {  	s17 =	simm.s32 $0xE180  }
0x174: {  	[tilespmem:s17], [sflag:$0x1] =	stream.indirect_vreg.gather [hbm4b:s1+s3], $0x80, v4, vm0, $0xb8;
	[tilespmem:$0x12180] =	vst v63  }
0x175: {  	s17 =	simm.s32 $0xE980  }
0x176: {  	[tilespmem:s17], [sflag:$0x1] =	stream.indirect_vreg.gather [hbm4b:s1+s3], $0x80, v3, vm0, $0xb8;
	[tilespmem:$0x12180] =	vst v63  }
0x177: {  	v3 =	vld [tilespmem:$0xF0];
	_ =	sdelay $0x4  }
0x178: {  	v61 =	vshll.u32 v3, $0x1  }
0x179: {  	v3 =	vand.u32 $0x7, v3;
	v4 =	vand.u32 $0xFFFFFFF0, v61  }
0x17a: {  	v3 =	vor.u32 v3, v4  }
0x17b: {  	v4 =	vperm.xlane v3, v0;
	_ =	sdelay $0x1  }
0x17c: {  	v3 =	vperm.xlane v3, v2;
	v4 =	vadd.s32 v1, v4;
	_ =	sdelay $0x1  }
0x17d: {  	v3 =	vadd.s32 v1, v3;
	_ =	sdelay $0x1  }
0x17e: {  	s17 =	simm.s32 $0xF180  }
0x17f: {  	[tilespmem:s17], [sflag:$0x1] =	stream.indirect_vreg.gather [hbm4b:s1+s3], $0x80, v4, vm0, $0xb8;
	[tilespmem:$0x12180] =	vst v63  }
0x180: {  	s17 =	simm.s32 $0xF980  }
0x181: {  	[tilespmem:s17], [sflag:$0x1] =	stream.indirect_vreg.gather [hbm4b:s1+s3], $0x80, v3, vm0, $0xb8;
	[tilespmem:$0x12180] =	vst v63  }
0x182: {  	v3 =	vld [tilespmem:$0x100];
	_ =	sdelay $0x4  }
0x183: {  	v62 =	vshll.u32 v3, $0x1  }
0x184: {  	v3 =	vand.u32 $0x7, v3;
	v4 =	vand.u32 $0xFFFFFFF0, v62  }
0x185: {  	v3 =	vor.u32 v3, v4  }
0x186: {  	v4 =	vperm.xlane v3, v0;
	_ =	sdelay $0x1  }
0x187: {  	v3 =	vperm.xlane v3, v2;
	v4 =	vadd.s32 v1, v4;
	_ =	sdelay $0x1  }
0x188: {  	v3 =	vadd.s32 v1, v3;
	_ =	sdelay $0x1  }
0x189: {  	s17 =	simm.s32 $0x10180  }
0x18a: {  	[tilespmem:s17], [sflag:$0x1] =	stream.indirect_vreg.gather [hbm4b:s1+s3], $0x80, v4, vm0, $0xb8;
	[tilespmem:$0x12180] =	vst v63  }
0x18b: {  	s17 =	simm.s32 $0x10980  }
0x18c: {  	[tilespmem:s17], [sflag:$0x1] =	stream.indirect_vreg.gather [hbm4b:s1+s3], $0x80, v3, vm0, $0xb8;
	[tilespmem:$0x12180] =	vst v63  }
0x18d: {  	v3 =	vld [tilespmem:$0x110];
	_ =	sdelay $0x4  }
0x18e: {  	v63 =	vshll.u32 v3, $0x1  }
0x18f: {  	v3 =	vand.u32 $0x7, v3;
	v4 =	vand.u32 $0xFFFFFFF0, v63  }
0x190: {  	v3 =	vor.u32 v3, v4  }
0x191: {  	v4 =	vperm.xlane v3, v0;
	_ =	sdelay $0x1  }
0x192: {  	v3 =	vperm.xlane v3, v2;
	v4 =	vadd.s32 v1, v4;
	_ =	sdelay $0x1  }
0x193: {  	v3 =	vadd.s32 v1, v3;
	_ =	sdelay $0x1  }
0x194: {  	s17 =	simm.s32 $0x11180  }
0x195: {  	[tilespmem:s17], [sflag:$0x1] =	stream.indirect_vreg.gather [hbm4b:s1+s3], $0x80, v4, vm0, $0xb8;
	[tilespmem:$0x12180] =	vst v63  }
0x196: {  	s17 =	simm.s32 $0x11980  }
0x197: {  	[tilespmem:s17], [sflag:$0x1] =	stream.indirect_vreg.gather [hbm4b:s1+s3], $0x80, v3, vm0, $0xb8;
	[tilespmem:$0x12180] =	vst v63  }
0x198: {  	_ =	swait.ge [sflag:s16], $0x12000  }
0x199: {  	p0 =	sne.s32 s4, $0x1;
	s0 =	simm.s32 $0x180;
	[sflag:s16] =	ssyncset.done $0x0  }
.Ltmp0:
0x19a: {  	s17 =	rddreg [dreg:$0x7];
	[sflag:s16] =	ssyncadd.s32 $0xFFFEE000;
	(pc) =	sbr.rel @p0 .LBB2_1-.Ltmp0, $4  }
0x19b: {  	[hbm4b:s17+s3] =	stream.linear.scatter [tilespmem:s0], [sflag:$0x2], $0x12000, $0x38;
	[tilespmem:$0x12180] =	vst v63  }
0x19c: {  	_ =	swait.ge [sflag:s5], $0x12000  }
0x19d: {  	[sflag:s5] =	ssyncset.done $0x0  }
0x19e: {  	s4 =	sadd.s32 $0xFFFFFFFF, s4;
	[sflag:s5] =	ssyncadd.s32 $0xFFFEE000  }
0x19f: {  	_ =	sfence.sel $0x180000  }
0x1a0: {  	[bflag:$0x0] =	sbarrier.arrive $0xFFFF  }
0x1a1: {  	_ =	strace $0x90000047  }
0x1a2: {  	s0 =	stileid.u32;
	[bflag:$0x2] =	sbarrier.arrive $0xFFFF  }
0x1a3: {  	p0 =	sne.s32 s0, $0x0;
	s0 =	rddreg [dreg:$0x3]  }
0x1a4: {  	s0 =	sadd.s32 @!p0 $0x100000, s0  }
0x1a5: {  	[sflag:s0] =	ssyncadd.tile.s32 @!p0 $0x1;
	_ =	shalt  }
.Lfunc_end2:
_tile_overlayer_lowered:
.L_overlay_start_2:
0x1a6: {  	(tag) =	ssettag $0x2  }
0x1a7: {  	s0 =	rddreg [dreg:$0x0];
	s2 =	stileid.u32  }
0x1a8: {  	s1 =	rddreg [dreg:$0x1];
	p0 =	sne.s32 s2, $0x0  }
0x1a9: {  	s3 =	rddreg [dreg:$0x2];
	[bflag:$0x3] =	sbarrier.arrive $0xFFFF;
	s2 =	simm.s32 @!p0 $0x1C02  }
0x1aa: {  	[timem:s3], [sflag:s2] =	dma.local @!p0 [hbm:s0], s1  }
0x1ab: {  	s0 =	simm.s32 @!p0 $0x2  }
0x1ac: {  	_ =	swait.ge @!p0 [sflag:s0], s1  }
0x1ad: {  	s1 =	ssub.s32 @!p0 $0x0, s1;
	[sflag:s0] =	ssyncset.done @!p0 $0x0  }
0x1ae: {  	[sflag:s0] =	ssyncadd.s32 @!p0 s1  }
0x1af: {  	[bflag:$0x3] =	sbarrier.arrive $0xFFFF  }
0x1b0: {  	_ =	shalt  }

</sc_bundles>
